<compile_context>
chip_gen: v7x
topology: tpu7x:2x2x1
jax: 0.10.2.dev20260603
libtpu: 0.0.44.dev20260713+nightly
codegen_flags: <defaults>
</compile_context>

<pallas_src>
import functools

import jax
import jax.numpy as jnp
from jax import lax
from jax.experimental import pallas as pl
from jax.experimental.pallas import tpu as pltpu
from jax.experimental.pallas import tpu_sc as plsc

BATCH = 16384
HIDDEN = 64
RNUM = 5

try:
    _info = plsc.get_sparse_core_info()
    _NC, _NS = _info.num_cores, _info.num_subcores
except Exception:
    _NC, _NS = 2, 16
_NW = _NC * _NS
_BPW = BATCH // _NW

_mesh = plsc.VectorSubcoreMesh(core_axis_name="c", subcore_axis_name="s")


@functools.partial(
    pl.kernel,
    mesh=_mesh,
    out_type=[
        jax.ShapeDtypeStruct((BATCH, HIDDEN), jnp.float32),
        jax.ShapeDtypeStruct((BATCH, HIDDEN), jnp.float32),
    ],
    scratch_types=[
        pltpu.VMEM((_BPW,), jnp.int32),
        pltpu.VMEM((_BPW,), jnp.int32),
        pltpu.VMEM((_BPW // 2, HIDDEN), jnp.float32),
        pltpu.VMEM((_BPW // 2, HIDDEN), jnp.float32),
        pltpu.SemaphoreType.DMA,
    ],
)
def _sc_gather(table_hbm, uidx_hbm, midx_hbm, outu_hbm, outm_hbm,
               uidx_vm, midx_vm, rowsu_v, rowsm_v, sem):
    wid = lax.axis_index("s") * _NC + lax.axis_index("c")
    obase = wid * _BPW
    half = _BPW // 2
    pltpu.sync_copy(uidx_hbm.at[pl.ds(obase, _BPW)], uidx_vm)
    pltpu.sync_copy(midx_hbm.at[pl.ds(obase, _BPW)], midx_vm)

    for ph in range(2):
        pbase = ph * half

        def body(g, carry):
            vu = uidx_vm[pl.ds(pbase + g * 16, 16)]
            vm_ = midx_vm[pl.ds(pbase + g * 16, 16)]
            for k in range(16):
                pltpu.async_copy(table_hbm.at[pl.ds(vu[k], 1)],
                                 rowsu_v.at[pl.ds(g * 16 + k, 1)], sem)
                pltpu.async_copy(table_hbm.at[pl.ds(vm_[k], 1)],
                                 rowsm_v.at[pl.ds(g * 16 + k, 1)], sem)
            return carry

        lax.fori_loop(0, half // 16, body, 0)
        pltpu.make_async_copy(table_hbm.at[pl.ds(0, half)], rowsu_v, sem).wait()
        pltpu.make_async_copy(table_hbm.at[pl.ds(0, half)], rowsm_v, sem).wait()
        pltpu.sync_copy(rowsu_v, outu_hbm.at[pl.ds(obase + pbase, half)])
        pltpu.sync_copy(rowsm_v, outm_hbm.at[pl.ds(obase + pbase, half)])


_BM = 2048


def _mlp_body(xu_ref, xm_ref, w1_ref, b1_ref, w2_ref, b2_ref, out_ref):
    dn = (((1,), (0,)), ((), ()))
    hi = None
    pre = (
        lax.dot_general(xu_ref[...], w1_ref[0:HIDDEN, :], dn,
                        precision=hi, preferred_element_type=jnp.float32)
        + lax.dot_general(xm_ref[...], w1_ref[HIDDEN:2 * HIDDEN, :], dn,
                          precision=hi, preferred_element_type=jnp.float32)
        + b1_ref[...]
    )
    h = jnp.tanh(pre)
    out_ref[...] = (
        lax.dot_general(h, w2_ref[...], dn,
                        precision=hi, preferred_element_type=jnp.float32)
        + b2_ref[...]
    )


_tc_mlp = pl.pallas_call(
    _mlp_body,
    grid=(BATCH // _BM,),
    in_specs=[
        pl.BlockSpec((_BM, HIDDEN), lambda i: (i, 0)),
        pl.BlockSpec((_BM, HIDDEN), lambda i: (i, 0)),
        pl.BlockSpec((2 * HIDDEN, HIDDEN), lambda i: (0, 0)),
        pl.BlockSpec((1, HIDDEN), lambda i: (0, 0)),
        pl.BlockSpec((HIDDEN, RNUM), lambda i: (0, 0)),
        pl.BlockSpec((1, RNUM), lambda i: (0, 0)),
    ],
    out_specs=pl.BlockSpec((_BM, RNUM), lambda i: (i, 0)),
    out_shape=jax.ShapeDtypeStruct((BATCH, RNUM), jnp.float32),
)


def kernel(data, movie_table, user_table, W1, b1, W2, b2):
    uidx = data[:, 0].astype(jnp.int32)
    midx = data[:, 1].astype(jnp.int32)
    xu, xm = _sc_gather(movie_table, uidx, midx)
    return _tc_mlp(xu, xm, W1, b1.reshape(1, HIDDEN), W2, b2.reshape(1, RNUM))

# --- scband reference (transcript-rebuilt; emitter-appended) ---
"""Pipeline reference for scband-mf-47682726920503 (READ-ONLY COPY).

The authoritative reference and input builder live on the scoring server;
editing this copy changes nothing except your own understanding.
"""

import jax, jax.numpy as jnp
import numpy as np

MNUM = 1000000
UNUM = 1000000
HIDDEN = 64
RNUM = 5
BATCH = 16384


def setup_inputs(seed: int = 0) -> dict:
    key = jax.random.key(seed)
    ks = jax.random.split(key, 7)
    data = jax.random.randint(ks[0], (BATCH, 2), 0, MNUM, dtype=jnp.int64 if jax.config.jax_enable_x64 else jnp.int32)
    movie_table = jax.random.normal(ks[1], (MNUM, HIDDEN), dtype=jnp.float32) * 0.02
    user_table = jax.random.normal(ks[2], (UNUM, HIDDEN), dtype=jnp.float32) * 0.02
    W1 = jax.random.normal(ks[3], (HIDDEN * 2, HIDDEN), dtype=jnp.float32) * (1.0 / np.sqrt(HIDDEN * 2))
    b1 = jnp.zeros((HIDDEN,), dtype=jnp.float32)
    W2 = jax.random.normal(ks[4], (HIDDEN, RNUM), dtype=jnp.float32) * (1.0 / np.sqrt(HIDDEN))
    b2 = jnp.zeros((RNUM,), dtype=jnp.float32)
    return {"data": data, "movie_table": movie_table, "user_table": user_table, "W1": W1, "b1": b1, "W2": W2, "b2": b2}


def reference(data, movie_table, user_table, W1, b1, W2, b2):
    # Faithful to original: BOTH user and movie lookups use movie_embedding
    # (user_embedding exists as a parameter but is unused in forward).
    user_id = data[:, 0]
    movie_id = data[:, 1]
    user = jnp.take(movie_table, user_id, axis=0)
    movie = jnp.take(movie_table, movie_id, axis=0)
    x = jnp.concatenate([user, movie], axis=-1)
    h = jnp.tanh(x @ W1 + b1)
    score = h @ W2 + b2
    return score

if __name__ == "__main__":
    import jax
    _d = setup_inputs()
    print(jax.jit(kernel)(*tuple(_d.values())))

</pallas_src>

<mosaic_0001>
#map = affine_map<(d0, d1) -> (0, 0)>
#map1 = affine_map<(d0, d1) -> (0)>
module attributes {stable_mosaic.version = 14 : i64} {
  func.func @_sc_gather(%arg0: i32, %arg1: i32, %arg2: memref<1000000x64xf32, #tpu.memory_space<hbm>>, %arg3: memref<16384xi32, #tpu.memory_space<hbm>>, %arg4: memref<16384xi32, #tpu.memory_space<hbm>>, %arg5: memref<16384x64xf32, #tpu.memory_space<hbm>>, %arg6: memref<16384x64xf32, #tpu.memory_space<hbm>>, %arg7: memref<512xi32, #tpu.memory_space<vmem>>, %arg8: memref<512xi32, #tpu.memory_space<vmem>>, %arg9: memref<256x64xf32, #tpu.memory_space<vmem>>, %arg10: memref<256x64xf32, #tpu.memory_space<vmem>>, %arg11: memref<!tpu.dma_semaphore, #tpu.memory_space<semaphore_mem>>) attributes {dimension_semantics = [#tpu.dimension_semantics<core_parallel>, #tpu.dimension_semantics<subcore_parallel>], iteration_bounds = array<i64: 2, 16>, scalar_prefetch = 0 : i64, scratch_operands = 5 : i64, tpu.core_type = #tpu.core_type<sc_vector_subcore>, window_params = [{transform_indices = #map}, {transform_indices = #map1}, {transform_indices = #map1}, {transform_indices = #map}, {transform_indices = #map}]} {
    %mul3A = arith.constant 2 : i32
    %mul3A_0 = arith.muli %arg1, %mul3A : i32
    %add3A = arith.addi %mul3A_0, %arg0 : i32
    %mul3A_1 = arith.constant 512 : i32
    %mul3A_2 = arith.muli %add3A, %mul3A_1 : i32
    "tpu.region"() ({
      %run_scoped3A = tpu.sem_alloc : memref<!tpu.dma_semaphore, #tpu.memory_space<semaphore_mem>>
      %dma_start3A = tpu.memref_slice %arg3[%mul3A_2] : memref<16384xi32, #tpu.memory_space<hbm>> -> memref<512xi32, #tpu.memory_space<hbm>>
      %dma_start3A_45 = tpu.memref_slice %arg3[%mul3A_2] : memref<16384xi32, #tpu.memory_space<hbm>> -> memref<512xi32, #tpu.memory_space<hbm>>
      tpu.enqueue_dma source(%dma_start3A_45 : memref<512xi32, #tpu.memory_space<hbm>>) target(%arg7 : memref<512xi32, #tpu.memory_space<vmem>>) target_semaphore(%run_scoped3A : memref<!tpu.dma_semaphore, #tpu.memory_space<semaphore_mem>>)
      %dma_wait3A_46 = tpu.memref_slice %arg3[%mul3A_2] : memref<16384xi32, #tpu.memory_space<hbm>> -> memref<512xi32, #tpu.memory_space<hbm>>
      %dma_wait3A_47 = tpu.memref_slice %arg3[%mul3A_2] : memref<16384xi32, #tpu.memory_space<hbm>> -> memref<512xi32, #tpu.memory_space<hbm>>
      tpu.wait_dma2 semaphore(%run_scoped3A : memref<!tpu.dma_semaphore, #tpu.memory_space<semaphore_mem>>) src(%dma_wait3A_47 : memref<512xi32, #tpu.memory_space<hbm>>) dst(%arg7 : memref<512xi32, #tpu.memory_space<vmem>>)
      tpu.yield
    }) : () -> ()
    "tpu.region"() ({
      %run_scoped3A = tpu.sem_alloc : memref<!tpu.dma_semaphore, #tpu.memory_space<semaphore_mem>>
      %dma_start3A = tpu.memref_slice %arg4[%mul3A_2] : memref<16384xi32, #tpu.memory_space<hbm>> -> memref<512xi32, #tpu.memory_space<hbm>>
      %dma_start3A_45 = tpu.memref_slice %arg4[%mul3A_2] : memref<16384xi32, #tpu.memory_space<hbm>> -> memref<512xi32, #tpu.memory_space<hbm>>
      tpu.enqueue_dma source(%dma_start3A_45 : memref<512xi32, #tpu.memory_space<hbm>>) target(%arg8 : memref<512xi32, #tpu.memory_space<vmem>>) target_semaphore(%run_scoped3A : memref<!tpu.dma_semaphore, #tpu.memory_space<semaphore_mem>>)
      %dma_wait3A_46 = tpu.memref_slice %arg4[%mul3A_2] : memref<16384xi32, #tpu.memory_space<hbm>> -> memref<512xi32, #tpu.memory_space<hbm>>
      %dma_wait3A_47 = tpu.memref_slice %arg4[%mul3A_2] : memref<16384xi32, #tpu.memory_space<hbm>> -> memref<512xi32, #tpu.memory_space<hbm>>
      tpu.wait_dma2 semaphore(%run_scoped3A : memref<!tpu.dma_semaphore, #tpu.memory_space<semaphore_mem>>) src(%dma_wait3A_47 : memref<512xi32, #tpu.memory_space<hbm>>) dst(%arg8 : memref<512xi32, #tpu.memory_space<vmem>>)
      tpu.yield
    }) : () -> ()
    %scan3A = arith.constant 0 : i32
    %scan3A_3 = arith.constant 0 : i32
    %scan3A_4 = arith.constant 16 : i32
    %scan3A_5 = arith.addi %scan3A_3, %scan3A_4 : i32
    %scan3A_6 = arith.constant 1 : i32
    scf.for %scan3A_45 = %scan3A_3 to %scan3A_5 step %scan3A_6  : i32 {
      %mul3A_46 = arith.constant 16 : i32
      %mul3A_47 = arith.muli %scan3A_45, %mul3A_46 : i32
      %add3A_48 = arith.constant 0 : i32
      %add3A_49 = arith.addi %add3A_48, %mul3A_47 : i32
      %get3A = arith.index_cast %add3A_49 : i32 to index
      %get3A_50 = tpu.vector_load %arg7[%get3A] {strides = array<i32>} : memref<512xi32, #tpu.memory_space<vmem>>, vector<16xi32>,
      %get3A_51 = vector.shape_cast %get3A_50 : vector<16xi32> to vector<16xi32>
      %mul3A_52 = arith.constant 16 : i32
      %mul3A_53 = arith.muli %scan3A_45, %mul3A_52 : i32
      %add3A_54 = arith.constant 0 : i32
      %add3A_55 = arith.addi %add3A_54, %mul3A_53 : i32
      %get3A_56 = arith.index_cast %add3A_55 : i32 to index
      %get3A_57 = tpu.vector_load %arg8[%get3A_56] {strides = array<i32>} : memref<512xi32, #tpu.memory_space<vmem>>, vector<16xi32>,
      %get3A_58 = vector.shape_cast %get3A_57 : vector<16xi32> to vector<16xi32>
      %slice3A = vector.extract_strided_slice %get3A_51 {offsets = [0], sizes = [1], strides = [1]} : vector<16xi32> to vector<1xi32>
      %squeeze3A = vector.extract %slice3A[0] : i32 from vector<1xi32>
      %mul3A_59 = arith.constant 16 : i32
      %mul3A_60 = arith.muli %scan3A_45, %mul3A_59 : i32
      %add3A_61 = arith.constant 0 : i32
      %add3A_62 = arith.addi %mul3A_60, %add3A_61 : i32
      %dma_start3A = arith.constant 0 : i32
      %dma_start3A_63 = tpu.memref_slice %arg9[%add3A_62, %dma_start3A] : memref<256x64xf32, #tpu.memory_space<vmem>> -> memref<1x64xf32, #tpu.memory_space<vmem>>
      %dma_start3A_64 = arith.constant 0 : i32
      %dma_start3A_65 = tpu.memref_slice %arg2[%squeeze3A, %dma_start3A_64] : memref<1000000x64xf32, #tpu.memory_space<hbm>> -> memref<1x64xf32, #tpu.memory_space<hbm>>
      %dma_start3A_66 = arith.constant 0 : i32
      %dma_start3A_67 = tpu.memref_slice %arg9[%add3A_62, %dma_start3A_66] : memref<256x64xf32, #tpu.memory_space<vmem>> -> memref<1x64xf32, #tpu.memory_space<vmem>>
      %dma_start3A_68 = arith.constant 0 : i32
      %dma_start3A_69 = tpu.memref_slice %arg2[%squeeze3A, %dma_start3A_68] : memref<1000000x64xf32, #tpu.memory_space<hbm>> -> memref<1x64xf32, #tpu.memory_space<hbm>>
      tpu.enqueue_dma source(%dma_start3A_69 : memref<1x64xf32, #tpu.memory_space<hbm>>) target(%dma_start3A_67 : memref<1x64xf32, #tpu.memory_space<vmem>>) target_semaphore(%arg11 : memref<!tpu.dma_semaphore, #tpu.memory_space<semaphore_mem>>)
      %slice3A_70 = vector.extract_strided_slice %get3A_58 {offsets = [0], sizes = [1], strides = [1]} : vector<16xi32> to vector<1xi32>
      %squeeze3A_71 = vector.extract %slice3A_70[0] : i32 from vector<1xi32>
      %mul3A_72 = arith.constant 16 : i32
      %mul3A_73 = arith.muli %scan3A_45, %mul3A_72 : i32
      %add3A_74 = arith.constant 0 : i32
      %add3A_75 = arith.addi %mul3A_73, %add3A_74 : i32
      %dma_start3A_76 = arith.constant 0 : i32
      %dma_start3A_77 = tpu.memref_slice %arg10[%add3A_75, %dma_start3A_76] : memref<256x64xf32, #tpu.memory_space<vmem>> -> memref<1x64xf32, #tpu.memory_space<vmem>>
      %dma_start3A_78 = arith.constant 0 : i32
      %dma_start3A_79 = tpu.memref_slice %arg2[%squeeze3A_71, %dma_start3A_78] : memref<1000000x64xf32, #tpu.memory_space<hbm>> -> memref<1x64xf32, #tpu.memory_space<hbm>>
      %dma_start3A_80 = arith.constant 0 : i32
      %dma_start3A_81 = tpu.memref_slice %arg10[%add3A_75, %dma_start3A_80] : memref<256x64xf32, #tpu.memory_space<vmem>> -> memref<1x64xf32, #tpu.memory_space<vmem>>
      %dma_start3A_82 = arith.constant 0 : i32
      %dma_start3A_83 = tpu.memref_slice %arg2[%squeeze3A_71, %dma_start3A_82] : memref<1000000x64xf32, #tpu.memory_space<hbm>> -> memref<1x64xf32, #tpu.memory_space<hbm>>
      tpu.enqueue_dma source(%dma_start3A_83 : memref<1x64xf32, #tpu.memory_space<hbm>>) target(%dma_start3A_81 : memref<1x64xf32, #tpu.memory_space<vmem>>) target_semaphore(%arg11 : memref<!tpu.dma_semaphore, #tpu.memory_space<semaphore_mem>>)
      %slice3A_84 = vector.extract_strided_slice %get3A_51 {offsets = [1], sizes = [1], strides = [1]} : vector<16xi32> to vector<1xi32>
      %squeeze3A_85 = vector.extract %slice3A_84[0] : i32 from vector<1xi32>
      %mul3A_86 = arith.constant 16 : i32
      %mul3A_87 = arith.muli %scan3A_45, %mul3A_86 : i32
      %add3A_88 = arith.constant 1 : i32
      %add3A_89 = arith.addi %mul3A_87, %add3A_88 : i32
      %dma_start3A_90 = arith.constant 0 : i32
      %dma_start3A_91 = tpu.memref_slice %arg9[%add3A_89, %dma_start3A_90] : memref<256x64xf32, #tpu.memory_space<vmem>> -> memref<1x64xf32, #tpu.memory_space<vmem>>
      %dma_start3A_92 = arith.constant 0 : i32
      %dma_start3A_93 = tpu.memref_slice %arg2[%squeeze3A_85, %dma_start3A_92] : memref<1000000x64xf32, #tpu.memory_space<hbm>> -> memref<1x64xf32, #tpu.memory_space<hbm>>
      %dma_start3A_94 = arith.constant 0 : i32
      %dma_start3A_95 = tpu.memref_slice %arg9[%add3A_89, %dma_start3A_94] : memref<256x64xf32, #tpu.memory_space<vmem>> -> memref<1x64xf32, #tpu.memory_space<vmem>>
      %dma_start3A_96 = arith.constant 0 : i32
      %dma_start3A_97 = tpu.memref_slice %arg2[%squeeze3A_85, %dma_start3A_96] : memref<1000000x64xf32, #tpu.memory_space<hbm>> -> memref<1x64xf32, #tpu.memory_space<hbm>>
      tpu.enqueue_dma source(%dma_start3A_97 : memref<1x64xf32, #tpu.memory_space<hbm>>) target(%dma_start3A_95 : memref<1x64xf32, #tpu.memory_space<vmem>>) target_semaphore(%arg11 : memref<!tpu.dma_semaphore, #tpu.memory_space<semaphore_mem>>)
      %slice3A_98 = vector.extract_strided_slice %get3A_58 {offsets = [1], sizes = [1], strides = [1]} : vector<16xi32> to vector<1xi32>
      %squeeze3A_99 = vector.extract %slice3A_98[0] : i32 from vector<1xi32>
      %mul3A_100 = arith.constant 16 : i32
      %mul3A_101 = arith.muli %scan3A_45, %mul3A_100 : i32
      %add3A_102 = arith.constant 1 : i32
      %add3A_103 = arith.addi %mul3A_101, %add3A_102 : i32
      %dma_start3A_104 = arith.constant 0 : i32
      %dma_start3A_105 = tpu.memref_slice %arg10[%add3A_103, %dma_start3A_104] : memref<256x64xf32, #tpu.memory_space<vmem>> -> memref<1x64xf32, #tpu.memory_space<vmem>>
      %dma_start3A_106 = arith.constant 0 : i32
      %dma_start3A_107 = tpu.memref_slice %arg2[%squeeze3A_99, %dma_start3A_106] : memref<1000000x64xf32, #tpu.memory_space<hbm>> -> memref<1x64xf32, #tpu.memory_space<hbm>>
      %dma_start3A_108 = arith.constant 0 : i32
      %dma_start3A_109 = tpu.memref_slice %arg10[%add3A_103, %dma_start3A_108] : memref<256x64xf32, #tpu.memory_space<vmem>> -> memref<1x64xf32, #tpu.memory_space<vmem>>
      %dma_start3A_110 = arith.constant 0 : i32
      %dma_start3A_111 = tpu.memref_slice %arg2[%squeeze3A_99, %dma_start3A_110] : memref<1000000x64xf32, #tpu.memory_space<hbm>> -> memref<1x64xf32, #tpu.memory_space<hbm>>
      tpu.enqueue_dma source(%dma_start3A_111 : memref<1x64xf32, #tpu.memory_space<hbm>>) target(%dma_start3A_109 : memref<1x64xf32, #tpu.memory_space<vmem>>) target_semaphore(%arg11 : memref<!tpu.dma_semaphore, #tpu.memory_space<semaphore_mem>>)
      %slice3A_112 = vector.extract_strided_slice %get3A_51 {offsets = [2], sizes = [1], strides = [1]} : vector<16xi32> to vector<1xi32>
      %squeeze3A_113 = vector.extract %slice3A_112[0] : i32 from vector<1xi32>
      %mul3A_114 = arith.constant 16 : i32
      %mul3A_115 = arith.muli %scan3A_45, %mul3A_114 : i32
      %add3A_116 = arith.constant 2 : i32
      %add3A_117 = arith.addi %mul3A_115, %add3A_116 : i32
      %dma_start3A_118 = arith.constant 0 : i32
      %dma_start3A_119 = tpu.memref_slice %arg9[%add3A_117, %dma_start3A_118] : memref<256x64xf32, #tpu.memory_space<vmem>> -> memref<1x64xf32, #tpu.memory_space<vmem>>
      %dma_start3A_120 = arith.constant 0 : i32
      %dma_start3A_121 = tpu.memref_slice %arg2[%squeeze3A_113, %dma_start3A_120] : memref<1000000x64xf32, #tpu.memory_space<hbm>> -> memref<1x64xf32, #tpu.memory_space<hbm>>
      %dma_start3A_122 = arith.constant 0 : i32
      %dma_start3A_123 = tpu.memref_slice %arg9[%add3A_117, %dma_start3A_122] : memref<256x64xf32, #tpu.memory_space<vmem>> -> memref<1x64xf32, #tpu.memory_space<vmem>>
      %dma_start3A_124 = arith.constant 0 : i32
      %dma_start3A_125 = tpu.memref_slice %arg2[%squeeze3A_113, %dma_start3A_124] : memref<1000000x64xf32, #tpu.memory_space<hbm>> -> memref<1x64xf32, #tpu.memory_space<hbm>>
      tpu.enqueue_dma source(%dma_start3A_125 : memref<1x64xf32, #tpu.memory_space<hbm>>) target(%dma_start3A_123 : memref<1x64xf32, #tpu.memory_space<vmem>>) target_semaphore(%arg11 : memref<!tpu.dma_semaphore, #tpu.memory_space<semaphore_mem>>)
      %slice3A_126 = vector.extract_strided_slice %get3A_58 {offsets = [2], sizes = [1], strides = [1]} : vector<16xi32> to vector<1xi32>
      %squeeze3A_127 = vector.extract %slice3A_126[0] : i32 from vector<1xi32>
      %mul3A_128 = arith.constant 16 : i32
      %mul3A_129 = arith.muli %scan3A_45, %mul3A_128 : i32
      %add3A_130 = arith.constant 2 : i32
      %add3A_131 = arith.addi %mul3A_129, %add3A_130 : i32
      %dma_start3A_132 = arith.constant 0 : i32
      %dma_start3A_133 = tpu.memref_slice %arg10[%add3A_131, %dma_start3A_132] : memref<256x64xf32, #tpu.memory_space<vmem>> -> memref<1x64xf32, #tpu.memory_space<vmem>>
      %dma_start3A_134 = arith.constant 0 : i32
      %dma_start3A_135 = tpu.memref_slice %arg2[%squeeze3A_127, %dma_start3A_134] : memref<1000000x64xf32, #tpu.memory_space<hbm>> -> memref<1x64xf32, #tpu.memory_space<hbm>>
      %dma_start3A_136 = arith.constant 0 : i32
      %dma_start3A_137 = tpu.memref_slice %arg10[%add3A_131, %dma_start3A_136] : memref<256x64xf32, #tpu.memory_space<vmem>> -> memref<1x64xf32, #tpu.memory_space<vmem>>
      %dma_start3A_138 = arith.constant 0 : i32
      %dma_start3A_139 = tpu.memref_slice %arg2[%squeeze3A_127, %dma_start3A_138] : memref<1000000x64xf32, #tpu.memory_space<hbm>> -> memref<1x64xf32, #tpu.memory_space<hbm>>
      tpu.enqueue_dma source(%dma_start3A_139 : memref<1x64xf32, #tpu.memory_space<hbm>>) target(%dma_start3A_137 : memref<1x64xf32, #tpu.memory_space<vmem>>) target_semaphore(%arg11 : memref<!tpu.dma_semaphore, #tpu.memory_space<semaphore_mem>>)
      %slice3A_140 = vector.extract_strided_slice %get3A_51 {offsets = [3], sizes = [1], strides = [1]} : vector<16xi32> to vector<1xi32>
      %squeeze3A_141 = vector.extract %slice3A_140[0] : i32 from vector<1xi32>
      %mul3A_142 = arith.constant 16 : i32
      %mul3A_143 = arith.muli %scan3A_45, %mul3A_142 : i32
      %add3A_144 = arith.constant 3 : i32
      %add3A_145 = arith.addi %mul3A_143, %add3A_144 : i32
      %dma_start3A_146 = arith.constant 0 : i32
      %dma_start3A_147 = tpu.memref_slice %arg9[%add3A_145, %dma_start3A_146] : memref<256x64xf32, #tpu.memory_space<vmem>> -> memref<1x64xf32, #tpu.memory_space<vmem>>
      %dma_start3A_148 = arith.constant 0 : i32
      %dma_start3A_149 = tpu.memref_slice %arg2[%squeeze3A_141, %dma_start3A_148] : memref<1000000x64xf32, #tpu.memory_space<hbm>> -> memref<1x64xf32, #tpu.memory_space<hbm>>
      %dma_start3A_150 = arith.constant 0 : i32
      %dma_start3A_151 = tpu.memref_slice %arg9[%add3A_145, %dma_start3A_150] : memref<256x64xf32, #tpu.memory_space<vmem>> -> memref<1x64xf32, #tpu.memory_space<vmem>>
      %dma_start3A_152 = arith.constant 0 : i32
      %dma_start3A_153 = tpu.memref_slice %arg2[%squeeze3A_141, %dma_start3A_152] : memref<1000000x64xf32, #tpu.memory_space<hbm>> -> memref<1x64xf32, #tpu.memory_space<hbm>>
      tpu.enqueue_dma source(%dma_start3A_153 : memref<1x64xf32, #tpu.memory_space<hbm>>) target(%dma_start3A_151 : memref<1x64xf32, #tpu.memory_space<vmem>>) target_semaphore(%arg11 : memref<!tpu.dma_semaphore, #tpu.memory_space<semaphore_mem>>)
      %slice3A_154 = vector.extract_strided_slice %get3A_58 {offsets = [3], sizes = [1], strides = [1]} : vector<16xi32> to vector<1xi32>
      %squeeze3A_155 = vector.extract %slice3A_154[0] : i32 from vector<1xi32>
      %mul3A_156 = arith.constant 16 : i32
      %mul3A_157 = arith.muli %scan3A_45, %mul3A_156 : i32
      %add3A_158 = arith.constant 3 : i32
      %add3A_159 = arith.addi %mul3A_157, %add3A_158 : i32
      %dma_start3A_160 = arith.constant 0 : i32
      %dma_start3A_161 = tpu.memref_slice %arg10[%add3A_159, %dma_start3A_160] : memref<256x64xf32, #tpu.memory_space<vmem>> -> memref<1x64xf32, #tpu.memory_space<vmem>>
      %dma_start3A_162 = arith.constant 0 : i32
      %dma_start3A_163 = tpu.memref_slice %arg2[%squeeze3A_155, %dma_start3A_162] : memref<1000000x64xf32, #tpu.memory_space<hbm>> -> memref<1x64xf32, #tpu.memory_space<hbm>>
      %dma_start3A_164 = arith.constant 0 : i32
      %dma_start3A_165 = tpu.memref_slice %arg10[%add3A_159, %dma_start3A_164] : memref<256x64xf32, #tpu.memory_space<vmem>> -> memref<1x64xf32, #tpu.memory_space<vmem>>
      %dma_start3A_166 = arith.constant 0 : i32
      %dma_start3A_167 = tpu.memref_slice %arg2[%squeeze3A_155, %dma_start3A_166] : memref<1000000x64xf32, #tpu.memory_space<hbm>> -> memref<1x64xf32, #tpu.memory_space<hbm>>
      tpu.enqueue_dma source(%dma_start3A_167 : memref<1x64xf32, #tpu.memory_space<hbm>>) target(%dma_start3A_165 : memref<1x64xf32, #tpu.memory_space<vmem>>) target_semaphore(%arg11 : memref<!tpu.dma_semaphore, #tpu.memory_space<semaphore_mem>>)
      %slice3A_168 = vector.extract_strided_slice %get3A_51 {offsets = [4], sizes = [1], strides = [1]} : vector<16xi32> to vector<1xi32>
      %squeeze3A_169 = vector.extract %slice3A_168[0] : i32 from vector<1xi32>
      %mul3A_170 = arith.constant 16 : i32
      %mul3A_171 = arith.muli %scan3A_45, %mul3A_170 : i32
      %add3A_172 = arith.constant 4 : i32
      %add3A_173 = arith.addi %mul3A_171, %add3A_172 : i32
      %dma_start3A_174 = arith.constant 0 : i32
      %dma_start3A_175 = tpu.memref_slice %arg9[%add3A_173, %dma_start3A_174] : memref<256x64xf32, #tpu.memory_space<vmem>> -> memref<1x64xf32, #tpu.memory_space<vmem>>
      %dma_start3A_176 = arith.constant 0 : i32
      %dma_start3A_177 = tpu.memref_slice %arg2[%squeeze3A_169, %dma_start3A_176] : memref<1000000x64xf32, #tpu.memory_space<hbm>> -> memref<1x64xf32, #tpu.memory_space<hbm>>
      %dma_start3A_178 = arith.constant 0 : i32
      %dma_start3A_179 = tpu.memref_slice %arg9[%add3A_173, %dma_start3A_178] : memref<256x64xf32, #tpu.memory_space<vmem>> -> memref<1x64xf32, #tpu.memory_space<vmem>>
      %dma_start3A_180 = arith.constant 0 : i32
      %dma_start3A_181 = tpu.memref_slice %arg2[%squeeze3A_169, %dma_start3A_180] : memref<1000000x64xf32, #tpu.memory_space<hbm>> -> memref<1x64xf32, #tpu.memory_space<hbm>>
      tpu.enqueue_dma source(%dma_start3A_181 : memref<1x64xf32, #tpu.memory_space<hbm>>) target(%dma_start3A_179 : memref<1x64xf32, #tpu.memory_space<vmem>>) target_semaphore(%arg11 : memref<!tpu.dma_semaphore, #tpu.memory_space<semaphore_mem>>)
      %slice3A_182 = vector.extract_strided_slice %get3A_58 {offsets = [4], sizes = [1], strides = [1]} : vector<16xi32> to vector<1xi32>
      %squeeze3A_183 = vector.extract %slice3A_182[0] : i32 from vector<1xi32>
      %mul3A_184 = arith.constant 16 : i32
      %mul3A_185 = arith.muli %scan3A_45, %mul3A_184 : i32
      %add3A_186 = arith.constant 4 : i32
      %add3A_187 = arith.addi %mul3A_185, %add3A_186 : i32
      %dma_start3A_188 = arith.constant 0 : i32
      %dma_start3A_189 = tpu.memref_slice %arg10[%add3A_187, %dma_start3A_188] : memref<256x64xf32, #tpu.memory_space<vmem>> -> memref<1x64xf32, #tpu.memory_space<vmem>>
      %dma_start3A_190 = arith.constant 0 : i32
      %dma_start3A_191 = tpu.memref_slice %arg2[%squeeze3A_183, %dma_start3A_190] : memref<1000000x64xf32, #tpu.memory_space<hbm>> -> memref<1x64xf32, #tpu.memory_space<hbm>>
      %dma_start3A_192 = arith.constant 0 : i32
      %dma_start3A_193 = tpu.memref_slice %arg10[%add3A_187, %dma_start3A_192] : memref<256x64xf32, #tpu.memory_space<vmem>> -> memref<1x64xf32, #tpu.memory_space<vmem>>
      %dma_start3A_194 = arith.constant 0 : i32
      %dma_start3A_195 = tpu.memref_slice %arg2[%squeeze3A_183, %dma_start3A_194] : memref<1000000x64xf32, #tpu.memory_space<hbm>> -> memref<1x64xf32, #tpu.memory_space<hbm>>
      tpu.enqueue_dma source(%dma_start3A_195 : memref<1x64xf32, #tpu.memory_space<hbm>>) target(%dma_start3A_193 : memref<1x64xf32, #tpu.memory_space<vmem>>) target_semaphore(%arg11 : memref<!tpu.dma_semaphore, #tpu.memory_space<semaphore_mem>>)
      %slice3A_196 = vector.extract_strided_slice %get3A_51 {offsets = [5], sizes = [1], strides = [1]} : vector<16xi32> to vector<1xi32>
      %squeeze3A_197 = vector.extract %slice3A_196[0] : i32 from vector<1xi32>
      %mul3A_198 = arith.constant 16 : i32
      %mul3A_199 = arith.muli %scan3A_45, %mul3A_198 : i32
      %add3A_200 = arith.constant 5 : i32
      %add3A_201 = arith.addi %mul3A_199, %add3A_200 : i32
      %dma_start3A_202 = arith.constant 0 : i32
      %dma_start3A_203 = tpu.memref_slice %arg9[%add3A_201, %dma_start3A_202] : memref<256x64xf32, #tpu.memory_space<vmem>> -> memref<1x64xf32, #tpu.memory_space<vmem>>
      %dma_start3A_204 = arith.constant 0 : i32
      %dma_start3A_205 = tpu.memref_slice %arg2[%squeeze3A_197, %dma_start3A_204] : memref<1000000x64xf32, #tpu.memory_space<hbm>> -> memref<1x64xf32, #tpu.memory_space<hbm>>
      %dma_start3A_206 = arith.constant 0 : i32
      %dma_start3A_207 = tpu.memref_slice %arg9[%add3A_201, %dma_start3A_206] : memref<256x64xf32, #tpu.memory_space<vmem>> -> memref<1x64xf32, #tpu.memory_space<vmem>>
      %dma_start3A_208 = arith.constant 0 : i32
      %dma_start3A_209 = tpu.memref_slice %arg2[%squeeze3A_197, %dma_start3A_208] : memref<1000000x64xf32, #tpu.memory_space<hbm>> -> memref<1x64xf32, #tpu.memory_space<hbm>>
      tpu.enqueue_dma source(%dma_start3A_209 : memref<1x64xf32, #tpu.memory_space<hbm>>) target(%dma_start3A_207 : memref<1x64xf32, #tpu.memory_space<vmem>>) target_semaphore(%arg11 : memref<!tpu.dma_semaphore, #tpu.memory_space<semaphore_mem>>)
      %slice3A_210 = vector.extract_strided_slice %get3A_58 {offsets = [5], sizes = [1], strides = [1]} : vector<16xi32> to vector<1xi32>
      %squeeze3A_211 = vector.extract %slice3A_210[0] : i32 from vector<1xi32>
      %mul3A_212 = arith.constant 16 : i32
      %mul3A_213 = arith.muli %scan3A_45, %mul3A_212 : i32
      %add3A_214 = arith.constant 5 : i32
      %add3A_215 = arith.addi %mul3A_213, %add3A_214 : i32
      %dma_start3A_216 = arith.constant 0 : i32
      %dma_start3A_217 = tpu.memref_slice %arg10[%add3A_215, %dma_start3A_216] : memref<256x64xf32, #tpu.memory_space<vmem>> -> memref<1x64xf32, #tpu.memory_space<vmem>>
      %dma_start3A_218 = arith.constant 0 : i32
      %dma_start3A_219 = tpu.memref_slice %arg2[%squeeze3A_211, %dma_start3A_218] : memref<1000000x64xf32, #tpu.memory_space<hbm>> -> memref<1x64xf32, #tpu.memory_space<hbm>>
      %dma_start3A_220 = arith.constant 0 : i32
      %dma_start3A_221 = tpu.memref_slice %arg10[%add3A_215, %dma_start3A_220] : memref<256x64xf32, #tpu.memory_space<vmem>> -> memref<1x64xf32, #tpu.memory_space<vmem>>
      %dma_start3A_222 = arith.constant 0 : i32
      %dma_start3A_223 = tpu.memref_slice %arg2[%squeeze3A_211, %dma_start3A_222] : memref<1000000x64xf32, #tpu.memory_space<hbm>> -> memref<1x64xf32, #tpu.memory_space<hbm>>
      tpu.enqueue_dma source(%dma_start3A_223 : memref<1x64xf32, #tpu.memory_space<hbm>>) target(%dma_start3A_221 : memref<1x64xf32, #tpu.memory_space<vmem>>) target_semaphore(%arg11 : memref<!tpu.dma_semaphore, #tpu.memory_space<semaphore_mem>>)
      %slice3A_224 = vector.extract_strided_slice %get3A_51 {offsets = [6], sizes = [1], strides = [1]} : vector<16xi32> to vector<1xi32>
      %squeeze3A_225 = vector.extract %slice3A_224[0] : i32 from vector<1xi32>
      %mul3A_226 = arith.constant 16 : i32
      %mul3A_227 = arith.muli %scan3A_45, %mul3A_226 : i32
      %add3A_228 = arith.constant 6 : i32
      %add3A_229 = arith.addi %mul3A_227, %add3A_228 : i32
      %dma_start3A_230 = arith.constant 0 : i32
      %dma_start3A_231 = tpu.memref_slice %arg9[%add3A_229, %dma_start3A_230] : memref<256x64xf32, #tpu.memory_space<vmem>> -> memref<1x64xf32, #tpu.memory_space<vmem>>
      %dma_start3A_232 = arith.constant 0 : i32
      %dma_start3A_233 = tpu.memref_slice %arg2[%squeeze3A_225, %dma_start3A_232] : memref<1000000x64xf32, #tpu.memory_space<hbm>> -> memref<1x64xf32, #tpu.memory_space<hbm>>
      %dma_start3A_234 = arith.constant 0 : i32
      %dma_start3A_235 = tpu.memref_slice %arg9[%add3A_229, %dma_start3A_234] : memref<256x64xf32, #tpu.memory_space<vmem>> -> memref<1x64xf32, #tpu.memory_space<vmem>>
      %dma_start3A_236 = arith.constant 0 : i32
      %dma_start3A_237 = tpu.memref_slice %arg2[%squeeze3A_225, %dma_start3A_236] : memref<1000000x64xf32, #tpu.memory_space<hbm>> -> memref<1x64xf32, #tpu.memory_space<hbm>>
      tpu.enqueue_dma source(%dma_start3A_237 : memref<1x64xf32, #tpu.memory_space<hbm>>) target(%dma_start3A_235 : memref<1x64xf32, #tpu.memory_space<vmem>>) target_semaphore(%arg11 : memref<!tpu.dma_semaphore, #tpu.memory_space<semaphore_mem>>)
      %slice3A_238 = vector.extract_strided_slice %get3A_58 {offsets = [6], sizes = [1], strides = [1]} : vector<16xi32> to vector<1xi32>
      %squeeze3A_239 = vector.extract %slice3A_238[0] : i32 from vector<1xi32>
      %mul3A_240 = arith.constant 16 : i32
      %mul3A_241 = arith.muli %scan3A_45, %mul3A_240 : i32
      %add3A_242 = arith.constant 6 : i32
      %add3A_243 = arith.addi %mul3A_241, %add3A_242 : i32
      %dma_start3A_244 = arith.constant 0 : i32
      %dma_start3A_245 = tpu.memref_slice %arg10[%add3A_243, %dma_start3A_244] : memref<256x64xf32, #tpu.memory_space<vmem>> -> memref<1x64xf32, #tpu.memory_space<vmem>>
      %dma_start3A_246 = arith.constant 0 : i32
      %dma_start3A_247 = tpu.memref_slice %arg2[%squeeze3A_239, %dma_start3A_246] : memref<1000000x64xf32, #tpu.memory_space<hbm>> -> memref<1x64xf32, #tpu.memory_space<hbm>>
      %dma_start3A_248 = arith.constant 0 : i32
      %dma_start3A_249 = tpu.memref_slice %arg10[%add3A_243, %dma_start3A_248] : memref<256x64xf32, #tpu.memory_space<vmem>> -> memref<1x64xf32, #tpu.memory_space<vmem>>
      %dma_start3A_250 = arith.constant 0 : i32
      %dma_start3A_251 = tpu.memref_slice %arg2[%squeeze3A_239, %dma_start3A_250] : memref<1000000x64xf32, #tpu.memory_space<hbm>> -> memref<1x64xf32, #tpu.memory_space<hbm>>
      tpu.enqueue_dma source(%dma_start3A_251 : memref<1x64xf32, #tpu.memory_space<hbm>>) target(%dma_start3A_249 : memref<1x64xf32, #tpu.memory_space<vmem>>) target_semaphore(%arg11 : memref<!tpu.dma_semaphore, #tpu.memory_space<semaphore_mem>>)
      %slice3A_252 = vector.extract_strided_slice %get3A_51 {offsets = [7], sizes = [1], strides = [1]} : vector<16xi32> to vector<1xi32>
      %squeeze3A_253 = vector.extract %slice3A_252[0] : i32 from vector<1xi32>
      %mul3A_254 = arith.constant 16 : i32
      %mul3A_255 = arith.muli %scan3A_45, %mul3A_254 : i32
      %add3A_256 = arith.constant 7 : i32
      %add3A_257 = arith.addi %mul3A_255, %add3A_256 : i32
      %dma_start3A_258 = arith.constant 0 : i32
      %dma_start3A_259 = tpu.memref_slice %arg9[%add3A_257, %dma_start3A_258] : memref<256x64xf32, #tpu.memory_space<vmem>> -> memref<1x64xf32, #tpu.memory_space<vmem>>
      %dma_start3A_260 = arith.constant 0 : i32
      %dma_start3A_261 = tpu.memref_slice %arg2[%squeeze3A_253, %dma_start3A_260] : memref<1000000x64xf32, #tpu.memory_space<hbm>> -> memref<1x64xf32, #tpu.memory_space<hbm>>
      %dma_start3A_262 = arith.constant 0 : i32
      %dma_start3A_263 = tpu.memref_slice %arg9[%add3A_257, %dma_start3A_262] : memref<256x64xf32, #tpu.memory_space<vmem>> -> memref<1x64xf32, #tpu.memory_space<vmem>>
      %dma_start3A_264 = arith.constant 0 : i32
      %dma_start3A_265 = tpu.memref_slice %arg2[%squeeze3A_253, %dma_start3A_264] : memref<1000000x64xf32, #tpu.memory_space<hbm>> -> memref<1x64xf32, #tpu.memory_space<hbm>>
      tpu.enqueue_dma source(%dma_start3A_265 : memref<1x64xf32, #tpu.memory_space<hbm>>) target(%dma_start3A_263 : memref<1x64xf32, #tpu.memory_space<vmem>>) target_semaphore(%arg11 : memref<!tpu.dma_semaphore, #tpu.memory_space<semaphore_mem>>)
      %slice3A_266 = vector.extract_strided_slice %get3A_58 {offsets = [7], sizes = [1], strides = [1]} : vector<16xi32> to vector<1xi32>
      %squeeze3A_267 = vector.extract %slice3A_266[0] : i32 from vector<1xi32>
      %mul3A_268 = arith.constant 16 : i32
      %mul3A_269 = arith.muli %scan3A_45, %mul3A_268 : i32
      %add3A_270 = arith.constant 7 : i32
      %add3A_271 = arith.addi %mul3A_269, %add3A_270 : i32
      %dma_start3A_272 = arith.constant 0 : i32
      %dma_start3A_273 = tpu.memref_slice %arg10[%add3A_271, %dma_start3A_272] : memref<256x64xf32, #tpu.memory_space<vmem>> -> memref<1x64xf32, #tpu.memory_space<vmem>>
      %dma_start3A_274 = arith.constant 0 : i32
      %dma_start3A_275 = tpu.memref_slice %arg2[%squeeze3A_267, %dma_start3A_274] : memref<1000000x64xf32, #tpu.memory_space<hbm>> -> memref<1x64xf32, #tpu.memory_space<hbm>>
      %dma_start3A_276 = arith.constant 0 : i32
      %dma_start3A_277 = tpu.memref_slice %arg10[%add3A_271, %dma_start3A_276] : memref<256x64xf32, #tpu.memory_space<vmem>> -> memref<1x64xf32, #tpu.memory_space<vmem>>
      %dma_start3A_278 = arith.constant 0 : i32
      %dma_start3A_279 = tpu.memref_slice %arg2[%squeeze3A_267, %dma_start3A_278] : memref<1000000x64xf32, #tpu.memory_space<hbm>> -> memref<1x64xf32, #tpu.memory_space<hbm>>
      tpu.enqueue_dma source(%dma_start3A_279 : memref<1x64xf32, #tpu.memory_space<hbm>>) target(%dma_start3A_277 : memref<1x64xf32, #tpu.memory_space<vmem>>) target_semaphore(%arg11 : memref<!tpu.dma_semaphore, #tpu.memory_space<semaphore_mem>>)
      %slice3A_280 = vector.extract_strided_slice %get3A_51 {offsets = [8], sizes = [1], strides = [1]} : vector<16xi32> to vector<1xi32>
      %squeeze3A_281 = vector.extract %slice3A_280[0] : i32 from vector<1xi32>
      %mul3A_282 = arith.constant 16 : i32
      %mul3A_283 = arith.muli %scan3A_45, %mul3A_282 : i32
      %add3A_284 = arith.constant 8 : i32
      %add3A_285 = arith.addi %mul3A_283, %add3A_284 : i32
      %dma_start3A_286 = arith.constant 0 : i32
      %dma_start3A_287 = tpu.memref_slice %arg9[%add3A_285, %dma_start3A_286] : memref<256x64xf32, #tpu.memory_space<vmem>> -> memref<1x64xf32, #tpu.memory_space<vmem>>
      %dma_start3A_288 = arith.constant 0 : i32
      %dma_start3A_289 = tpu.memref_slice %arg2[%squeeze3A_281, %dma_start3A_288] : memref<1000000x64xf32, #tpu.memory_space<hbm>> -> memref<1x64xf32, #tpu.memory_space<hbm>>
      %dma_start3A_290 = arith.constant 0 : i32
      %dma_start3A_291 = tpu.memref_slice %arg9[%add3A_285, %dma_start3A_290] : memref<256x64xf32, #tpu.memory_space<vmem>> -> memref<1x64xf32, #tpu.memory_space<vmem>>
      %dma_start3A_292 = arith.constant 0 : i32
      %dma_start3A_293 = tpu.memref_slice %arg2[%squeeze3A_281, %dma_start3A_292] : memref<1000000x64xf32, #tpu.memory_space<hbm>> -> memref<1x64xf32, #tpu.memory_space<hbm>>
      tpu.enqueue_dma source(%dma_start3A_293 : memref<1x64xf32, #tpu.memory_space<hbm>>) target(%dma_start3A_291 : memref<1x64xf32, #tpu.memory_space<vmem>>) target_semaphore(%arg11 : memref<!tpu.dma_semaphore, #tpu.memory_space<semaphore_mem>>)
      %slice3A_294 = vector.extract_strided_slice %get3A_58 {offsets = [8], sizes = [1], strides = [1]} : vector<16xi32> to vector<1xi32>
      %squeeze3A_295 = vector.extract %slice3A_294[0] : i32 from vector<1xi32>
      %mul3A_296 = arith.constant 16 : i32
      %mul3A_297 = arith.muli %scan3A_45, %mul3A_296 : i32
      %add3A_298 = arith.constant 8 : i32
      %add3A_299 = arith.addi %mul3A_297, %add3A_298 : i32
      %dma_start3A_300 = arith.constant 0 : i32
      %dma_start3A_301 = tpu.memref_slice %arg10[%add3A_299, %dma_start3A_300] : memref<256x64xf32, #tpu.memory_space<vmem>> -> memref<1x64xf32, #tpu.memory_space<vmem>>
      %dma_start3A_302 = arith.constant 0 : i32
      %dma_start3A_303 = tpu.memref_slice %arg2[%squeeze3A_295, %dma_start3A_302] : memref<1000000x64xf32, #tpu.memory_space<hbm>> -> memref<1x64xf32, #tpu.memory_space<hbm>>
      %dma_start3A_304 = arith.constant 0 : i32
      %dma_start3A_305 = tpu.memref_slice %arg10[%add3A_299, %dma_start3A_304] : memref<256x64xf32, #tpu.memory_space<vmem>> -> memref<1x64xf32, #tpu.memory_space<vmem>>
      %dma_start3A_306 = arith.constant 0 : i32
      %dma_start3A_307 = tpu.memref_slice %arg2[%squeeze3A_295, %dma_start3A_306] : memref<1000000x64xf32, #tpu.memory_space<hbm>> -> memref<1x64xf32, #tpu.memory_space<hbm>>
      tpu.enqueue_dma source(%dma_start3A_307 : memref<1x64xf32, #tpu.memory_space<hbm>>) target(%dma_start3A_305 : memref<1x64xf32, #tpu.memory_space<vmem>>) target_semaphore(%arg11 : memref<!tpu.dma_semaphore, #tpu.memory_space<semaphore_mem>>)
      %slice3A_308 = vector.extract_strided_slice %get3A_51 {offsets = [9], sizes = [1], strides = [1]} : vector<16xi32> to vector<1xi32>
      %squeeze3A_309 = vector.extract %slice3A_308[0] : i32 from vector<1xi32>
      %mul3A_310 = arith.constant 16 : i32
      %mul3A_311 = arith.muli %scan3A_45, %mul3A_310 : i32
      %add3A_312 = arith.constant 9 : i32
      %add3A_313 = arith.addi %mul3A_311, %add3A_312 : i32
      %dma_start3A_314 = arith.constant 0 : i32
      %dma_start3A_315 = tpu.memref_slice %arg9[%add3A_313, %dma_start3A_314] : memref<256x64xf32, #tpu.memory_space<vmem>> -> memref<1x64xf32, #tpu.memory_space<vmem>>
      %dma_start3A_316 = arith.constant 0 : i32
      %dma_start3A_317 = tpu.memref_slice %arg2[%squeeze3A_309, %dma_start3A_316] : memref<1000000x64xf32, #tpu.memory_space<hbm>> -> memref<1x64xf32, #tpu.memory_space<hbm>>
      %dma_start3A_318 = arith.constant 0 : i32
      %dma_start3A_319 = tpu.memref_slice %arg9[%add3A_313, %dma_start3A_318] : memref<256x64xf32, #tpu.memory_space<vmem>> -> memref<1x64xf32, #tpu.memory_space<vmem>>
      %dma_start3A_320 = arith.constant 0 : i32
      %dma_start3A_321 = tpu.memref_slice %arg2[%squeeze3A_309, %dma_start3A_320] : memref<1000000x64xf32, #tpu.memory_space<hbm>> -> memref<1x64xf32, #tpu.memory_space<hbm>>
      tpu.enqueue_dma source(%dma_start3A_321 : memref<1x64xf32, #tpu.memory_space<hbm>>) target(%dma_start3A_319 : memref<1x64xf32, #tpu.memory_space<vmem>>) target_semaphore(%arg11 : memref<!tpu.dma_semaphore, #tpu.memory_space<semaphore_mem>>)
      %slice3A_322 = vector.extract_strided_slice %get3A_58 {offsets = [9], sizes = [1], strides = [1]} : vector<16xi32> to vector<1xi32>
      %squeeze3A_323 = vector.extract %slice3A_322[0] : i32 from vector<1xi32>
      %mul3A_324 = arith.constant 16 : i32
      %mul3A_325 = arith.muli %scan3A_45, %mul3A_324 : i32
      %add3A_326 = arith.constant 9 : i32
      %add3A_327 = arith.addi %mul3A_325, %add3A_326 : i32
      %dma_start3A_328 = arith.constant 0 : i32
      %dma_start3A_329 = tpu.memref_slice %arg10[%add3A_327, %dma_start3A_328] : memref<256x64xf32, #tpu.memory_space<vmem>> -> memref<1x64xf32, #tpu.memory_space<vmem>>
      %dma_start3A_330 = arith.constant 0 : i32
      %dma_start3A_331 = tpu.memref_slice %arg2[%squeeze3A_323, %dma_start3A_330] : memref<1000000x64xf32, #tpu.memory_space<hbm>> -> memref<1x64xf32, #tpu.memory_space<hbm>>
      %dma_start3A_332 = arith.constant 0 : i32
      %dma_start3A_333 = tpu.memref_slice %arg10[%add3A_327, %dma_start3A_332] : memref<256x64xf32, #tpu.memory_space<vmem>> -> memref<1x64xf32, #tpu.memory_space<vmem>>
      %dma_start3A_334 = arith.constant 0 : i32
      %dma_start3A_335 = tpu.memref_slice %arg2[%squeeze3A_323, %dma_start3A_334] : memref<1000000x64xf32, #tpu.memory_space<hbm>> -> memref<1x64xf32, #tpu.memory_space<hbm>>
      tpu.enqueue_dma source(%dma_start3A_335 : memref<1x64xf32, #tpu.memory_space<hbm>>) target(%dma_start3A_333 : memref<1x64xf32, #tpu.memory_space<vmem>>) target_semaphore(%arg11 : memref<!tpu.dma_semaphore, #tpu.memory_space<semaphore_mem>>)
      %slice3A_336 = vector.extract_strided_slice %get3A_51 {offsets = [10], sizes = [1], strides = [1]} : vector<16xi32> to vector<1xi32>
      %squeeze3A_337 = vector.extract %slice3A_336[0] : i32 from vector<1xi32>
      %mul3A_338 = arith.constant 16 : i32
      %mul3A_339 = arith.muli %scan3A_45, %mul3A_338 : i32
      %add3A_340 = arith.constant 10 : i32
      %add3A_341 = arith.addi %mul3A_339, %add3A_340 : i32
      %dma_start3A_342 = arith.constant 0 : i32
      %dma_start3A_343 = tpu.memref_slice %arg9[%add3A_341, %dma_start3A_342] : memref<256x64xf32, #tpu.memory_space<vmem>> -> memref<1x64xf32, #tpu.memory_space<vmem>>
      %dma_start3A_344 = arith.constant 0 : i32
      %dma_start3A_345 = tpu.memref_slice %arg2[%squeeze3A_337, %dma_start3A_344] : memref<1000000x64xf32, #tpu.memory_space<hbm>> -> memref<1x64xf32, #tpu.memory_space<hbm>>
      %dma_start3A_346 = arith.constant 0 : i32
      %dma_start3A_347 = tpu.memref_slice %arg9[%add3A_341, %dma_start3A_346] : memref<256x64xf32, #tpu.memory_space<vmem>> -> memref<1x64xf32, #tpu.memory_space<vmem>>
      %dma_start3A_348 = arith.constant 0 : i32
      %dma_start3A_349 = tpu.memref_slice %arg2[%squeeze3A_337, %dma_start3A_348] : memref<1000000x64xf32, #tpu.memory_space<hbm>> -> memref<1x64xf32, #tpu.memory_space<hbm>>
      tpu.enqueue_dma source(%dma_start3A_349 : memref<1x64xf32, #tpu.memory_space<hbm>>) target(%dma_start3A_347 : memref<1x64xf32, #tpu.memory_space<vmem>>) target_semaphore(%arg11 : memref<!tpu.dma_semaphore, #tpu.memory_space<semaphore_mem>>)
      %slice3A_350 = vector.extract_strided_slice %get3A_58 {offsets = [10], sizes = [1], strides = [1]} : vector<16xi32> to vector<1xi32>
      %squeeze3A_351 = vector.extract %slice3A_350[0] : i32 from vector<1xi32>
      %mul3A_352 = arith.constant 16 : i32
      %mul3A_353 = arith.muli %scan3A_45, %mul3A_352 : i32
      %add3A_354 = arith.constant 10 : i32
      %add3A_355 = arith.addi %mul3A_353, %add3A_354 : i32
      %dma_start3A_356 = arith.constant 0 : i32
      %dma_start3A_357 = tpu.memref_slice %arg10[%add3A_355, %dma_start3A_356] : memref<256x64xf32, #tpu.memory_space<vmem>> -> memref<1x64xf32, #tpu.memory_space<vmem>>
      %dma_start3A_358 = arith.constant 0 : i32
      %dma_start3A_359 = tpu.memref_slice %arg2[%squeeze3A_351, %dma_start3A_358] : memref<1000000x64xf32, #tpu.memory_space<hbm>> -> memref<1x64xf32, #tpu.memory_space<hbm>>
      %dma_start3A_360 = arith.constant 0 : i32
      %dma_start3A_361 = tpu.memref_slice %arg10[%add3A_355, %dma_start3A_360] : memref<256x64xf32, #tpu.memory_space<vmem>> -> memref<1x64xf32, #tpu.memory_space<vmem>>
      %dma_start3A_362 = arith.constant 0 : i32
      %dma_start3A_363 = tpu.memref_slice %arg2[%squeeze3A_351, %dma_start3A_362] : memref<1000000x64xf32, #tpu.memory_space<hbm>> -> memref<1x64xf32, #tpu.memory_space<hbm>>
      tpu.enqueue_dma source(%dma_start3A_363 : memref<1x64xf32, #tpu.memory_space<hbm>>) target(%dma_start3A_361 : memref<1x64xf32, #tpu.memory_space<vmem>>) target_semaphore(%arg11 : memref<!tpu.dma_semaphore, #tpu.memory_space<semaphore_mem>>)
      %slice3A_364 = vector.extract_strided_slice %get3A_51 {offsets = [11], sizes = [1], strides = [1]} : vector<16xi32> to vector<1xi32>
      %squeeze3A_365 = vector.extract %slice3A_364[0] : i32 from vector<1xi32>
      %mul3A_366 = arith.constant 16 : i32
      %mul3A_367 = arith.muli %scan3A_45, %mul3A_366 : i32
      %add3A_368 = arith.constant 11 : i32
      %add3A_369 = arith.addi %mul3A_367, %add3A_368 : i32
      %dma_start3A_370 = arith.constant 0 : i32
      %dma_start3A_371 = tpu.memref_slice %arg9[%add3A_369, %dma_start3A_370] : memref<256x64xf32, #tpu.memory_space<vmem>> -> memref<1x64xf32, #tpu.memory_space<vmem>>
      %dma_start3A_372 = arith.constant 0 : i32
      %dma_start3A_373 = tpu.memref_slice %arg2[%squeeze3A_365, %dma_start3A_372] : memref<1000000x64xf32, #tpu.memory_space<hbm>> -> memref<1x64xf32, #tpu.memory_space<hbm>>
      %dma_start3A_374 = arith.constant 0 : i32
      %dma_start3A_375 = tpu.memref_slice %arg9[%add3A_369, %dma_start3A_374] : memref<256x64xf32, #tpu.memory_space<vmem>> -> memref<1x64xf32, #tpu.memory_space<vmem>>
      %dma_start3A_376 = arith.constant 0 : i32
      %dma_start3A_377 = tpu.memref_slice %arg2[%squeeze3A_365, %dma_start3A_376] : memref<1000000x64xf32, #tpu.memory_space<hbm>> -> memref<1x64xf32, #tpu.memory_space<hbm>>
      tpu.enqueue_dma source(%dma_start3A_377 : memref<1x64xf32, #tpu.memory_space<hbm>>) target(%dma_start3A_375 : memref<1x64xf32, #tpu.memory_space<vmem>>) target_semaphore(%arg11 : memref<!tpu.dma_semaphore, #tpu.memory_space<semaphore_mem>>)
      %slice3A_378 = vector.extract_strided_slice %get3A_58 {offsets = [11], sizes = [1], strides = [1]} : vector<16xi32> to vector<1xi32>
      %squeeze3A_379 = vector.extract %slice3A_378[0] : i32 from vector<1xi32>
      %mul3A_380 = arith.constant 16 : i32
      %mul3A_381 = arith.muli %scan3A_45, %mul3A_380 : i32
      %add3A_382 = arith.constant 11 : i32
      %add3A_383 = arith.addi %mul3A_381, %add3A_382 : i32
      %dma_start3A_384 = arith.constant 0 : i32
      %dma_start3A_385 = tpu.memref_slice %arg10[%add3A_383, %dma_start3A_384] : memref<256x64xf32, #tpu.memory_space<vmem>> -> memref<1x64xf32, #tpu.memory_space<vmem>>
      %dma_start3A_386 = arith.constant 0 : i32
      %dma_start3A_387 = tpu.memref_slice %arg2[%squeeze3A_379, %dma_start3A_386] : memref<1000000x64xf32, #tpu.memory_space<hbm>> -> memref<1x64xf32, #tpu.memory_space<hbm>>
      %dma_start3A_388 = arith.constant 0 : i32
      %dma_start3A_389 = tpu.memref_slice %arg10[%add3A_383, %dma_start3A_388] : memref<256x64xf32, #tpu.memory_space<vmem>> -> memref<1x64xf32, #tpu.memory_space<vmem>>
      %dma_start3A_390 = arith.constant 0 : i32
      %dma_start3A_391 = tpu.memref_slice %arg2[%squeeze3A_379, %dma_start3A_390] : memref<1000000x64xf32, #tpu.memory_space<hbm>> -> memref<1x64xf32, #tpu.memory_space<hbm>>
      tpu.enqueue_dma source(%dma_start3A_391 : memref<1x64xf32, #tpu.memory_space<hbm>>) target(%dma_start3A_389 : memref<1x64xf32, #tpu.memory_space<vmem>>) target_semaphore(%arg11 : memref<!tpu.dma_semaphore, #tpu.memory_space<semaphore_mem>>)
      %slice3A_392 = vector.extract_strided_slice %get3A_51 {offsets = [12], sizes = [1], strides = [1]} : vector<16xi32> to vector<1xi32>
      %squeeze3A_393 = vector.extract %slice3A_392[0] : i32 from vector<1xi32>
      %mul3A_394 = arith.constant 16 : i32
      %mul3A_395 = arith.muli %scan3A_45, %mul3A_394 : i32
      %add3A_396 = arith.constant 12 : i32
      %add3A_397 = arith.addi %mul3A_395, %add3A_396 : i32
      %dma_start3A_398 = arith.constant 0 : i32
      %dma_start3A_399 = tpu.memref_slice %arg9[%add3A_397, %dma_start3A_398] : memref<256x64xf32, #tpu.memory_space<vmem>> -> memref<1x64xf32, #tpu.memory_space<vmem>>
      %dma_start3A_400 = arith.constant 0 : i32
      %dma_start3A_401 = tpu.memref_slice %arg2[%squeeze3A_393, %dma_start3A_400] : memref<1000000x64xf32, #tpu.memory_space<hbm>> -> memref<1x64xf32, #tpu.memory_space<hbm>>
      %dma_start3A_402 = arith.constant 0 : i32
      %dma_start3A_403 = tpu.memref_slice %arg9[%add3A_397, %dma_start3A_402] : memref<256x64xf32, #tpu.memory_space<vmem>> -> memref<1x64xf32, #tpu.memory_space<vmem>>
      %dma_start3A_404 = arith.constant 0 : i32
      %dma_start3A_405 = tpu.memref_slice %arg2[%squeeze3A_393, %dma_start3A_404] : memref<1000000x64xf32, #tpu.memory_space<hbm>> -> memref<1x64xf32, #tpu.memory_space<hbm>>
      tpu.enqueue_dma source(%dma_start3A_405 : memref<1x64xf32, #tpu.memory_space<hbm>>) target(%dma_start3A_403 : memref<1x64xf32, #tpu.memory_space<vmem>>) target_semaphore(%arg11 : memref<!tpu.dma_semaphore, #tpu.memory_space<semaphore_mem>>)
      %slice3A_406 = vector.extract_strided_slice %get3A_58 {offsets = [12], sizes = [1], strides = [1]} : vector<16xi32> to vector<1xi32>
      %squeeze3A_407 = vector.extract %slice3A_406[0] : i32 from vector<1xi32>
      %mul3A_408 = arith.constant 16 : i32
      %mul3A_409 = arith.muli %scan3A_45, %mul3A_408 : i32
      %add3A_410 = arith.constant 12 : i32
      %add3A_411 = arith.addi %mul3A_409, %add3A_410 : i32
      %dma_start3A_412 = arith.constant 0 : i32
      %dma_start3A_413 = tpu.memref_slice %arg10[%add3A_411, %dma_start3A_412] : memref<256x64xf32, #tpu.memory_space<vmem>> -> memref<1x64xf32, #tpu.memory_space<vmem>>
      %dma_start3A_414 = arith.constant 0 : i32
      %dma_start3A_415 = tpu.memref_slice %arg2[%squeeze3A_407, %dma_start3A_414] : memref<1000000x64xf32, #tpu.memory_space<hbm>> -> memref<1x64xf32, #tpu.memory_space<hbm>>
      %dma_start3A_416 = arith.constant 0 : i32
      %dma_start3A_417 = tpu.memref_slice %arg10[%add3A_411, %dma_start3A_416] : memref<256x64xf32, #tpu.memory_space<vmem>> -> memref<1x64xf32, #tpu.memory_space<vmem>>
      %dma_start3A_418 = arith.constant 0 : i32
      %dma_start3A_419 = tpu.memref_slice %arg2[%squeeze3A_407, %dma_start3A_418] : memref<1000000x64xf32, #tpu.memory_space<hbm>> -> memref<1x64xf32, #tpu.memory_space<hbm>>
      tpu.enqueue_dma source(%dma_start3A_419 : memref<1x64xf32, #tpu.memory_space<hbm>>) target(%dma_start3A_417 : memref<1x64xf32, #tpu.memory_space<vmem>>) target_semaphore(%arg11 : memref<!tpu.dma_semaphore, #tpu.memory_space<semaphore_mem>>)
      %slice3A_420 = vector.extract_strided_slice %get3A_51 {offsets = [13], sizes = [1], strides = [1]} : vector<16xi32> to vector<1xi32>
      %squeeze3A_421 = vector.extract %slice3A_420[0] : i32 from vector<1xi32>
      %mul3A_422 = arith.constant 16 : i32
      %mul3A_423 = arith.muli %scan3A_45, %mul3A_422 : i32
      %add3A_424 = arith.constant 13 : i32
      %add3A_425 = arith.addi %mul3A_423, %add3A_424 : i32
      %dma_start3A_426 = arith.constant 0 : i32
      %dma_start3A_427 = tpu.memref_slice %arg9[%add3A_425, %dma_start3A_426] : memref<256x64xf32, #tpu.memory_space<vmem>> -> memref<1x64xf32, #tpu.memory_space<vmem>>
      %dma_start3A_428 = arith.constant 0 : i32
      %dma_start3A_429 = tpu.memref_slice %arg2[%squeeze3A_421, %dma_start3A_428] : memref<1000000x64xf32, #tpu.memory_space<hbm>> -> memref<1x64xf32, #tpu.memory_space<hbm>>
      %dma_start3A_430 = arith.constant 0 : i32
      %dma_start3A_431 = tpu.memref_slice %arg9[%add3A_425, %dma_start3A_430] : memref<256x64xf32, #tpu.memory_space<vmem>> -> memref<1x64xf32, #tpu.memory_space<vmem>>
      %dma_start3A_432 = arith.constant 0 : i32
      %dma_start3A_433 = tpu.memref_slice %arg2[%squeeze3A_421, %dma_start3A_432] : memref<1000000x64xf32, #tpu.memory_space<hbm>> -> memref<1x64xf32, #tpu.memory_space<hbm>>
      tpu.enqueue_dma source(%dma_start3A_433 : memref<1x64xf32, #tpu.memory_space<hbm>>) target(%dma_start3A_431 : memref<1x64xf32, #tpu.memory_space<vmem>>) target_semaphore(%arg11 : memref<!tpu.dma_semaphore, #tpu.memory_space<semaphore_mem>>)
      %slice3A_434 = vector.extract_strided_slice %get3A_58 {offsets = [13], sizes = [1], strides = [1]} : vector<16xi32> to vector<1xi32>
      %squeeze3A_435 = vector.extract %slice3A_434[0] : i32 from vector<1xi32>
      %mul3A_436 = arith.constant 16 : i32
      %mul3A_437 = arith.muli %scan3A_45, %mul3A_436 : i32
      %add3A_438 = arith.constant 13 : i32
      %add3A_439 = arith.addi %mul3A_437, %add3A_438 : i32
      %dma_start3A_440 = arith.constant 0 : i32
      %dma_start3A_441 = tpu.memref_slice %arg10[%add3A_439, %dma_start3A_440] : memref<256x64xf32, #tpu.memory_space<vmem>> -> memref<1x64xf32, #tpu.memory_space<vmem>>
      %dma_start3A_442 = arith.constant 0 : i32
      %dma_start3A_443 = tpu.memref_slice %arg2[%squeeze3A_435, %dma_start3A_442] : memref<1000000x64xf32, #tpu.memory_space<hbm>> -> memref<1x64xf32, #tpu.memory_space<hbm>>
      %dma_start3A_444 = arith.constant 0 : i32
      %dma_start3A_445 = tpu.memref_slice %arg10[%add3A_439, %dma_start3A_444] : memref<256x64xf32, #tpu.memory_space<vmem>> -> memref<1x64xf32, #tpu.memory_space<vmem>>
      %dma_start3A_446 = arith.constant 0 : i32
      %dma_start3A_447 = tpu.memref_slice %arg2[%squeeze3A_435, %dma_start3A_446] : memref<1000000x64xf32, #tpu.memory_space<hbm>> -> memref<1x64xf32, #tpu.memory_space<hbm>>
      tpu.enqueue_dma source(%dma_start3A_447 : memref<1x64xf32, #tpu.memory_space<hbm>>) target(%dma_start3A_445 : memref<1x64xf32, #tpu.memory_space<vmem>>) target_semaphore(%arg11 : memref<!tpu.dma_semaphore, #tpu.memory_space<semaphore_mem>>)
      %slice3A_448 = vector.extract_strided_slice %get3A_51 {offsets = [14], sizes = [1], strides = [1]} : vector<16xi32> to vector<1xi32>
      %squeeze3A_449 = vector.extract %slice3A_448[0] : i32 from vector<1xi32>
      %mul3A_450 = arith.constant 16 : i32
      %mul3A_451 = arith.muli %scan3A_45, %mul3A_450 : i32
      %add3A_452 = arith.constant 14 : i32
      %add3A_453 = arith.addi %mul3A_451, %add3A_452 : i32
      %dma_start3A_454 = arith.constant 0 : i32
      %dma_start3A_455 = tpu.memref_slice %arg9[%add3A_453, %dma_start3A_454] : memref<256x64xf32, #tpu.memory_space<vmem>> -> memref<1x64xf32, #tpu.memory_space<vmem>>
      %dma_start3A_456 = arith.constant 0 : i32
      %dma_start3A_457 = tpu.memref_slice %arg2[%squeeze3A_449, %dma_start3A_456] : memref<1000000x64xf32, #tpu.memory_space<hbm>> -> memref<1x64xf32, #tpu.memory_space<hbm>>
      %dma_start3A_458 = arith.constant 0 : i32
      %dma_start3A_459 = tpu.memref_slice %arg9[%add3A_453, %dma_start3A_458] : memref<256x64xf32, #tpu.memory_space<vmem>> -> memref<1x64xf32, #tpu.memory_space<vmem>>
      %dma_start3A_460 = arith.constant 0 : i32
      %dma_start3A_461 = tpu.memref_slice %arg2[%squeeze3A_449, %dma_start3A_460] : memref<1000000x64xf32, #tpu.memory_space<hbm>> -> memref<1x64xf32, #tpu.memory_space<hbm>>
      tpu.enqueue_dma source(%dma_start3A_461 : memref<1x64xf32, #tpu.memory_space<hbm>>) target(%dma_start3A_459 : memref<1x64xf32, #tpu.memory_space<vmem>>) target_semaphore(%arg11 : memref<!tpu.dma_semaphore, #tpu.memory_space<semaphore_mem>>)
      %slice3A_462 = vector.extract_strided_slice %get3A_58 {offsets = [14], sizes = [1], strides = [1]} : vector<16xi32> to vector<1xi32>
      %squeeze3A_463 = vector.extract %slice3A_462[0] : i32 from vector<1xi32>
      %mul3A_464 = arith.constant 16 : i32
      %mul3A_465 = arith.muli %scan3A_45, %mul3A_464 : i32
      %add3A_466 = arith.constant 14 : i32
      %add3A_467 = arith.addi %mul3A_465, %add3A_466 : i32
      %dma_start3A_468 = arith.constant 0 : i32
      %dma_start3A_469 = tpu.memref_slice %arg10[%add3A_467, %dma_start3A_468] : memref<256x64xf32, #tpu.memory_space<vmem>> -> memref<1x64xf32, #tpu.memory_space<vmem>>
      %dma_start3A_470 = arith.constant 0 : i32
      %dma_start3A_471 = tpu.memref_slice %arg2[%squeeze3A_463, %dma_start3A_470] : memref<1000000x64xf32, #tpu.memory_space<hbm>> -> memref<1x64xf32, #tpu.memory_space<hbm>>
      %dma_start3A_472 = arith.constant 0 : i32
      %dma_start3A_473 = tpu.memref_slice %arg10[%add3A_467, %dma_start3A_472] : memref<256x64xf32, #tpu.memory_space<vmem>> -> memref<1x64xf32, #tpu.memory_space<vmem>>
      %dma_start3A_474 = arith.constant 0 : i32
      %dma_start3A_475 = tpu.memref_slice %arg2[%squeeze3A_463, %dma_start3A_474] : memref<1000000x64xf32, #tpu.memory_space<hbm>> -> memref<1x64xf32, #tpu.memory_space<hbm>>
      tpu.enqueue_dma source(%dma_start3A_475 : memref<1x64xf32, #tpu.memory_space<hbm>>) target(%dma_start3A_473 : memref<1x64xf32, #tpu.memory_space<vmem>>) target_semaphore(%arg11 : memref<!tpu.dma_semaphore, #tpu.memory_space<semaphore_mem>>)
      %slice3A_476 = vector.extract_strided_slice %get3A_51 {offsets = [15], sizes = [1], strides = [1]} : vector<16xi32> to vector<1xi32>
      %squeeze3A_477 = vector.extract %slice3A_476[0] : i32 from vector<1xi32>
      %mul3A_478 = arith.constant 16 : i32
      %mul3A_479 = arith.muli %scan3A_45, %mul3A_478 : i32
      %add3A_480 = arith.constant 15 : i32
      %add3A_481 = arith.addi %mul3A_479, %add3A_480 : i32
      %dma_start3A_482 = arith.constant 0 : i32
      %dma_start3A_483 = tpu.memref_slice %arg9[%add3A_481, %dma_start3A_482] : memref<256x64xf32, #tpu.memory_space<vmem>> -> memref<1x64xf32, #tpu.memory_space<vmem>>
      %dma_start3A_484 = arith.constant 0 : i32
      %dma_start3A_485 = tpu.memref_slice %arg2[%squeeze3A_477, %dma_start3A_484] : memref<1000000x64xf32, #tpu.memory_space<hbm>> -> memref<1x64xf32, #tpu.memory_space<hbm>>
      %dma_start3A_486 = arith.constant 0 : i32
      %dma_start3A_487 = tpu.memref_slice %arg9[%add3A_481, %dma_start3A_486] : memref<256x64xf32, #tpu.memory_space<vmem>> -> memref<1x64xf32, #tpu.memory_space<vmem>>
      %dma_start3A_488 = arith.constant 0 : i32
      %dma_start3A_489 = tpu.memref_slice %arg2[%squeeze3A_477, %dma_start3A_488] : memref<1000000x64xf32, #tpu.memory_space<hbm>> -> memref<1x64xf32, #tpu.memory_space<hbm>>
      tpu.enqueue_dma source(%dma_start3A_489 : memref<1x64xf32, #tpu.memory_space<hbm>>) target(%dma_start3A_487 : memref<1x64xf32, #tpu.memory_space<vmem>>) target_semaphore(%arg11 : memref<!tpu.dma_semaphore, #tpu.memory_space<semaphore_mem>>)
      %slice3A_490 = vector.extract_strided_slice %get3A_58 {offsets = [15], sizes = [1], strides = [1]} : vector<16xi32> to vector<1xi32>
      %squeeze3A_491 = vector.extract %slice3A_490[0] : i32 from vector<1xi32>
      %mul3A_492 = arith.constant 16 : i32
      %mul3A_493 = arith.muli %scan3A_45, %mul3A_492 : i32
      %add3A_494 = arith.constant 15 : i32
      %add3A_495 = arith.addi %mul3A_493, %add3A_494 : i32
      %dma_start3A_496 = arith.constant 0 : i32
      %dma_start3A_497 = tpu.memref_slice %arg10[%add3A_495, %dma_start3A_496] : memref<256x64xf32, #tpu.memory_space<vmem>> -> memref<1x64xf32, #tpu.memory_space<vmem>>
      %dma_start3A_498 = arith.constant 0 : i32
      %dma_start3A_499 = tpu.memref_slice %arg2[%squeeze3A_491, %dma_start3A_498] : memref<1000000x64xf32, #tpu.memory_space<hbm>> -> memref<1x64xf32, #tpu.memory_space<hbm>>
      %dma_start3A_500 = arith.constant 0 : i32
      %dma_start3A_501 = tpu.memref_slice %arg10[%add3A_495, %dma_start3A_500] : memref<256x64xf32, #tpu.memory_space<vmem>> -> memref<1x64xf32, #tpu.memory_space<vmem>>
      %dma_start3A_502 = arith.constant 0 : i32
      %dma_start3A_503 = tpu.memref_slice %arg2[%squeeze3A_491, %dma_start3A_502] : memref<1000000x64xf32, #tpu.memory_space<hbm>> -> memref<1x64xf32, #tpu.memory_space<hbm>>
      tpu.enqueue_dma source(%dma_start3A_503 : memref<1x64xf32, #tpu.memory_space<hbm>>) target(%dma_start3A_501 : memref<1x64xf32, #tpu.memory_space<vmem>>) target_semaphore(%arg11 : memref<!tpu.dma_semaphore, #tpu.memory_space<semaphore_mem>>)
    }
    %scan3A_7 = arith.constant 16 : i32
    %dma_wait3A = arith.constant 0 : i32
    %dma_wait3A_8 = arith.constant 0 : i32
    %dma_wait3A_9 = tpu.memref_slice %arg2[%dma_wait3A, %dma_wait3A_8] : memref<1000000x64xf32, #tpu.memory_space<hbm>> -> memref<256x64xf32, #tpu.memory_space<hbm>>
    %dma_wait3A_10 = arith.constant 0 : i32
    %dma_wait3A_11 = arith.constant 0 : i32
    %dma_wait3A_12 = tpu.memref_slice %arg2[%dma_wait3A_10, %dma_wait3A_11] : memref<1000000x64xf32, #tpu.memory_space<hbm>> -> memref<256x64xf32, #tpu.memory_space<hbm>>
    tpu.wait_dma2 semaphore(%arg11 : memref<!tpu.dma_semaphore, #tpu.memory_space<semaphore_mem>>) src(%dma_wait3A_12 : memref<256x64xf32, #tpu.memory_space<hbm>>) dst(%arg9 : memref<256x64xf32, #tpu.memory_space<vmem>>)
    %dma_wait3A_13 = arith.constant 0 : i32
    %dma_wait3A_14 = arith.constant 0 : i32
    %dma_wait3A_15 = tpu.memref_slice %arg2[%dma_wait3A_13, %dma_wait3A_14] : memref<1000000x64xf32, #tpu.memory_space<hbm>> -> memref<256x64xf32, #tpu.memory_space<hbm>>
    %dma_wait3A_16 = arith.constant 0 : i32
    %dma_wait3A_17 = arith.constant 0 : i32
    %dma_wait3A_18 = tpu.memref_slice %arg2[%dma_wait3A_16, %dma_wait3A_17] : memref<1000000x64xf32, #tpu.memory_space<hbm>> -> memref<256x64xf32, #tpu.memory_space<hbm>>
    tpu.wait_dma2 semaphore(%arg11 : memref<!tpu.dma_semaphore, #tpu.memory_space<semaphore_mem>>) src(%dma_wait3A_18 : memref<256x64xf32, #tpu.memory_space<hbm>>) dst(%arg10 : memref<256x64xf32, #tpu.memory_space<vmem>>)
    %add3A_19 = arith.constant 0 : i32
    %add3A_20 = arith.addi %mul3A_2, %add3A_19 : i32
    "tpu.region"() ({
      %run_scoped3A = tpu.sem_alloc : memref<!tpu.dma_semaphore, #tpu.memory_space<semaphore_mem>>
      %dma_start3A = arith.constant 0 : i32
      %dma_start3A_45 = tpu.memref_slice %arg5[%add3A_20, %dma_start3A] : memref<16384x64xf32, #tpu.memory_space<hbm>> -> memref<256x64xf32, #tpu.memory_space<hbm>>
      %dma_start3A_46 = arith.constant 0 : i32
      %dma_start3A_47 = tpu.memref_slice %arg5[%add3A_20, %dma_start3A_46] : memref<16384x64xf32, #tpu.memory_space<hbm>> -> memref<256x64xf32, #tpu.memory_space<hbm>>
      tpu.enqueue_dma source(%arg9 : memref<256x64xf32, #tpu.memory_space<vmem>>) target(%dma_start3A_47 : memref<256x64xf32, #tpu.memory_space<hbm>>) target_semaphore(%run_scoped3A : memref<!tpu.dma_semaphore, #tpu.memory_space<semaphore_mem>>)
      %dma_wait3A_48 = arith.constant 0 : i32
      %dma_wait3A_49 = tpu.memref_slice %arg5[%add3A_20, %dma_wait3A_48] : memref<16384x64xf32, #tpu.memory_space<hbm>> -> memref<256x64xf32, #tpu.memory_space<hbm>>
      %dma_wait3A_50 = arith.constant 0 : i32
      %dma_wait3A_51 = tpu.memref_slice %arg5[%add3A_20, %dma_wait3A_50] : memref<16384x64xf32, #tpu.memory_space<hbm>> -> memref<256x64xf32, #tpu.memory_space<hbm>>
      tpu.wait_dma2 semaphore(%run_scoped3A : memref<!tpu.dma_semaphore, #tpu.memory_space<semaphore_mem>>) src(%arg9 : memref<256x64xf32, #tpu.memory_space<vmem>>) dst(%dma_wait3A_51 : memref<256x64xf32, #tpu.memory_space<hbm>>)
      tpu.yield
    }) : () -> ()
    %add3A_21 = arith.constant 0 : i32
    %add3A_22 = arith.addi %mul3A_2, %add3A_21 : i32
    "tpu.region"() ({
      %run_scoped3A = tpu.sem_alloc : memref<!tpu.dma_semaphore, #tpu.memory_space<semaphore_mem>>
      %dma_start3A = arith.constant 0 : i32
      %dma_start3A_45 = tpu.memref_slice %arg6[%add3A_22, %dma_start3A] : memref<16384x64xf32, #tpu.memory_space<hbm>> -> memref<256x64xf32, #tpu.memory_space<hbm>>
      %dma_start3A_46 = arith.constant 0 : i32
      %dma_start3A_47 = tpu.memref_slice %arg6[%add3A_22, %dma_start3A_46] : memref<16384x64xf32, #tpu.memory_space<hbm>> -> memref<256x64xf32, #tpu.memory_space<hbm>>
      tpu.enqueue_dma source(%arg10 : memref<256x64xf32, #tpu.memory_space<vmem>>) target(%dma_start3A_47 : memref<256x64xf32, #tpu.memory_space<hbm>>) target_semaphore(%run_scoped3A : memref<!tpu.dma_semaphore, #tpu.memory_space<semaphore_mem>>)
      %dma_wait3A_48 = arith.constant 0 : i32
      %dma_wait3A_49 = tpu.memref_slice %arg6[%add3A_22, %dma_wait3A_48] : memref<16384x64xf32, #tpu.memory_space<hbm>> -> memref<256x64xf32, #tpu.memory_space<hbm>>
      %dma_wait3A_50 = arith.constant 0 : i32
      %dma_wait3A_51 = tpu.memref_slice %arg6[%add3A_22, %dma_wait3A_50] : memref<16384x64xf32, #tpu.memory_space<hbm>> -> memref<256x64xf32, #tpu.memory_space<hbm>>
      tpu.wait_dma2 semaphore(%run_scoped3A : memref<!tpu.dma_semaphore, #tpu.memory_space<semaphore_mem>>) src(%arg10 : memref<256x64xf32, #tpu.memory_space<vmem>>) dst(%dma_wait3A_51 : memref<256x64xf32, #tpu.memory_space<hbm>>)
      tpu.yield
    }) : () -> ()
    %scan3A_23 = arith.constant 0 : i32
    %scan3A_24 = arith.constant 0 : i32
    %scan3A_25 = arith.constant 16 : i32
    %scan3A_26 = arith.addi %scan3A_24, %scan3A_25 : i32
    %scan3A_27 = arith.constant 1 : i32
    scf.for %scan3A_45 = %scan3A_24 to %scan3A_26 step %scan3A_27  : i32 {
      %mul3A_46 = arith.constant 16 : i32
      %mul3A_47 = arith.muli %scan3A_45, %mul3A_46 : i32
      %add3A_48 = arith.constant 256 : i32
      %add3A_49 = arith.addi %add3A_48, %mul3A_47 : i32
      %get3A = arith.index_cast %add3A_49 : i32 to index
      %get3A_50 = tpu.vector_load %arg7[%get3A] {strides = array<i32>} : memref<512xi32, #tpu.memory_space<vmem>>, vector<16xi32>,
      %get3A_51 = vector.shape_cast %get3A_50 : vector<16xi32> to vector<16xi32>
      %mul3A_52 = arith.constant 16 : i32
      %mul3A_53 = arith.muli %scan3A_45, %mul3A_52 : i32
      %add3A_54 = arith.constant 256 : i32
      %add3A_55 = arith.addi %add3A_54, %mul3A_53 : i32
      %get3A_56 = arith.index_cast %add3A_55 : i32 to index
      %get3A_57 = tpu.vector_load %arg8[%get3A_56] {strides = array<i32>} : memref<512xi32, #tpu.memory_space<vmem>>, vector<16xi32>,
      %get3A_58 = vector.shape_cast %get3A_57 : vector<16xi32> to vector<16xi32>
      %slice3A = vector.extract_strided_slice %get3A_51 {offsets = [0], sizes = [1], strides = [1]} : vector<16xi32> to vector<1xi32>
      %squeeze3A = vector.extract %slice3A[0] : i32 from vector<1xi32>
      %mul3A_59 = arith.constant 16 : i32
      %mul3A_60 = arith.muli %scan3A_45, %mul3A_59 : i32
      %add3A_61 = arith.constant 0 : i32
      %add3A_62 = arith.addi %mul3A_60, %add3A_61 : i32
      %dma_start3A = arith.constant 0 : i32
      %dma_start3A_63 = tpu.memref_slice %arg9[%add3A_62, %dma_start3A] : memref<256x64xf32, #tpu.memory_space<vmem>> -> memref<1x64xf32, #tpu.memory_space<vmem>>
      %dma_start3A_64 = arith.constant 0 : i32
      %dma_start3A_65 = tpu.memref_slice %arg2[%squeeze3A, %dma_start3A_64] : memref<1000000x64xf32, #tpu.memory_space<hbm>> -> memref<1x64xf32, #tpu.memory_space<hbm>>
      %dma_start3A_66 = arith.constant 0 : i32
      %dma_start3A_67 = tpu.memref_slice %arg9[%add3A_62, %dma_start3A_66] : memref<256x64xf32, #tpu.memory_space<vmem>> -> memref<1x64xf32, #tpu.memory_space<vmem>>
      %dma_start3A_68 = arith.constant 0 : i32
      %dma_start3A_69 = tpu.memref_slice %arg2[%squeeze3A, %dma_start3A_68] : memref<1000000x64xf32, #tpu.memory_space<hbm>> -> memref<1x64xf32, #tpu.memory_space<hbm>>
      tpu.enqueue_dma source(%dma_start3A_69 : memref<1x64xf32, #tpu.memory_space<hbm>>) target(%dma_start3A_67 : memref<1x64xf32, #tpu.memory_space<vmem>>) target_semaphore(%arg11 : memref<!tpu.dma_semaphore, #tpu.memory_space<semaphore_mem>>)
      %slice3A_70 = vector.extract_strided_slice %get3A_58 {offsets = [0], sizes = [1], strides = [1]} : vector<16xi32> to vector<1xi32>
      %squeeze3A_71 = vector.extract %slice3A_70[0] : i32 from vector<1xi32>
      %mul3A_72 = arith.constant 16 : i32
      %mul3A_73 = arith.muli %scan3A_45, %mul3A_72 : i32
      %add3A_74 = arith.constant 0 : i32
      %add3A_75 = arith.addi %mul3A_73, %add3A_74 : i32
      %dma_start3A_76 = arith.constant 0 : i32
      %dma_start3A_77 = tpu.memref_slice %arg10[%add3A_75, %dma_start3A_76] : memref<256x64xf32, #tpu.memory_space<vmem>> -> memref<1x64xf32, #tpu.memory_space<vmem>>
      %dma_start3A_78 = arith.constant 0 : i32
      %dma_start3A_79 = tpu.memref_slice %arg2[%squeeze3A_71, %dma_start3A_78] : memref<1000000x64xf32, #tpu.memory_space<hbm>> -> memref<1x64xf32, #tpu.memory_space<hbm>>
      %dma_start3A_80 = arith.constant 0 : i32
      %dma_start3A_81 = tpu.memref_slice %arg10[%add3A_75, %dma_start3A_80] : memref<256x64xf32, #tpu.memory_space<vmem>> -> memref<1x64xf32, #tpu.memory_space<vmem>>
      %dma_start3A_82 = arith.constant 0 : i32
      %dma_start3A_83 = tpu.memref_slice %arg2[%squeeze3A_71, %dma_start3A_82] : memref<1000000x64xf32, #tpu.memory_space<hbm>> -> memref<1x64xf32, #tpu.memory_space<hbm>>
      tpu.enqueue_dma source(%dma_start3A_83 : memref<1x64xf32, #tpu.memory_space<hbm>>) target(%dma_start3A_81 : memref<1x64xf32, #tpu.memory_space<vmem>>) target_semaphore(%arg11 : memref<!tpu.dma_semaphore, #tpu.memory_space<semaphore_mem>>)
      %slice3A_84 = vector.extract_strided_slice %get3A_51 {offsets = [1], sizes = [1], strides = [1]} : vector<16xi32> to vector<1xi32>
      %squeeze3A_85 = vector.extract %slice3A_84[0] : i32 from vector<1xi32>
      %mul3A_86 = arith.constant 16 : i32
      %mul3A_87 = arith.muli %scan3A_45, %mul3A_86 : i32
      %add3A_88 = arith.constant 1 : i32
      %add3A_89 = arith.addi %mul3A_87, %add3A_88 : i32
      %dma_start3A_90 = arith.constant 0 : i32
      %dma_start3A_91 = tpu.memref_slice %arg9[%add3A_89, %dma_start3A_90] : memref<256x64xf32, #tpu.memory_space<vmem>> -> memref<1x64xf32, #tpu.memory_space<vmem>>
      %dma_start3A_92 = arith.constant 0 : i32
      %dma_start3A_93 = tpu.memref_slice %arg2[%squeeze3A_85, %dma_start3A_92] : memref<1000000x64xf32, #tpu.memory_space<hbm>> -> memref<1x64xf32, #tpu.memory_space<hbm>>
      %dma_start3A_94 = arith.constant 0 : i32
      %dma_start3A_95 = tpu.memref_slice %arg9[%add3A_89, %dma_start3A_94] : memref<256x64xf32, #tpu.memory_space<vmem>> -> memref<1x64xf32, #tpu.memory_space<vmem>>
      %dma_start3A_96 = arith.constant 0 : i32
      %dma_start3A_97 = tpu.memref_slice %arg2[%squeeze3A_85, %dma_start3A_96] : memref<1000000x64xf32, #tpu.memory_space<hbm>> -> memref<1x64xf32, #tpu.memory_space<hbm>>
      tpu.enqueue_dma source(%dma_start3A_97 : memref<1x64xf32, #tpu.memory_space<hbm>>) target(%dma_start3A_95 : memref<1x64xf32, #tpu.memory_space<vmem>>) target_semaphore(%arg11 : memref<!tpu.dma_semaphore, #tpu.memory_space<semaphore_mem>>)
      %slice3A_98 = vector.extract_strided_slice %get3A_58 {offsets = [1], sizes = [1], strides = [1]} : vector<16xi32> to vector<1xi32>
      %squeeze3A_99 = vector.extract %slice3A_98[0] : i32 from vector<1xi32>
      %mul3A_100 = arith.constant 16 : i32
      %mul3A_101 = arith.muli %scan3A_45, %mul3A_100 : i32
      %add3A_102 = arith.constant 1 : i32
      %add3A_103 = arith.addi %mul3A_101, %add3A_102 : i32
      %dma_start3A_104 = arith.constant 0 : i32
      %dma_start3A_105 = tpu.memref_slice %arg10[%add3A_103, %dma_start3A_104] : memref<256x64xf32, #tpu.memory_space<vmem>> -> memref<1x64xf32, #tpu.memory_space<vmem>>
      %dma_start3A_106 = arith.constant 0 : i32
      %dma_start3A_107 = tpu.memref_slice %arg2[%squeeze3A_99, %dma_start3A_106] : memref<1000000x64xf32, #tpu.memory_space<hbm>> -> memref<1x64xf32, #tpu.memory_space<hbm>>
      %dma_start3A_108 = arith.constant 0 : i32
      %dma_start3A_109 = tpu.memref_slice %arg10[%add3A_103, %dma_start3A_108] : memref<256x64xf32, #tpu.memory_space<vmem>> -> memref<1x64xf32, #tpu.memory_space<vmem>>
      %dma_start3A_110 = arith.constant 0 : i32
      %dma_start3A_111 = tpu.memref_slice %arg2[%squeeze3A_99, %dma_start3A_110] : memref<1000000x64xf32, #tpu.memory_space<hbm>> -> memref<1x64xf32, #tpu.memory_space<hbm>>
      tpu.enqueue_dma source(%dma_start3A_111 : memref<1x64xf32, #tpu.memory_space<hbm>>) target(%dma_start3A_109 : memref<1x64xf32, #tpu.memory_space<vmem>>) target_semaphore(%arg11 : memref<!tpu.dma_semaphore, #tpu.memory_space<semaphore_mem>>)
      %slice3A_112 = vector.extract_strided_slice %get3A_51 {offsets = [2], sizes = [1], strides = [1]} : vector<16xi32> to vector<1xi32>
      %squeeze3A_113 = vector.extract %slice3A_112[0] : i32 from vector<1xi32>
      %mul3A_114 = arith.constant 16 : i32
      %mul3A_115 = arith.muli %scan3A_45, %mul3A_114 : i32
      %add3A_116 = arith.constant 2 : i32
      %add3A_117 = arith.addi %mul3A_115, %add3A_116 : i32
      %dma_start3A_118 = arith.constant 0 : i32
      %dma_start3A_119 = tpu.memref_slice %arg9[%add3A_117, %dma_start3A_118] : memref<256x64xf32, #tpu.memory_space<vmem>> -> memref<1x64xf32, #tpu.memory_space<vmem>>
      %dma_start3A_120 = arith.constant 0 : i32
      %dma_start3A_121 = tpu.memref_slice %arg2[%squeeze3A_113, %dma_start3A_120] : memref<1000000x64xf32, #tpu.memory_space<hbm>> -> memref<1x64xf32, #tpu.memory_space<hbm>>
      %dma_start3A_122 = arith.constant 0 : i32
      %dma_start3A_123 = tpu.memref_slice %arg9[%add3A_117, %dma_start3A_122] : memref<256x64xf32, #tpu.memory_space<vmem>> -> memref<1x64xf32, #tpu.memory_space<vmem>>
      %dma_start3A_124 = arith.constant 0 : i32
      %dma_start3A_125 = tpu.memref_slice %arg2[%squeeze3A_113, %dma_start3A_124] : memref<1000000x64xf32, #tpu.memory_space<hbm>> -> memref<1x64xf32, #tpu.memory_space<hbm>>
      tpu.enqueue_dma source(%dma_start3A_125 : memref<1x64xf32, #tpu.memory_space<hbm>>) target(%dma_start3A_123 : memref<1x64xf32, #tpu.memory_space<vmem>>) target_semaphore(%arg11 : memref<!tpu.dma_semaphore, #tpu.memory_space<semaphore_mem>>)
      %slice3A_126 = vector.extract_strided_slice %get3A_58 {offsets = [2], sizes = [1], strides = [1]} : vector<16xi32> to vector<1xi32>
      %squeeze3A_127 = vector.extract %slice3A_126[0] : i32 from vector<1xi32>
      %mul3A_128 = arith.constant 16 : i32
      %mul3A_129 = arith.muli %scan3A_45, %mul3A_128 : i32
      %add3A_130 = arith.constant 2 : i32
      %add3A_131 = arith.addi %mul3A_129, %add3A_130 : i32
      %dma_start3A_132 = arith.constant 0 : i32
      %dma_start3A_133 = tpu.memref_slice %arg10[%add3A_131, %dma_start3A_132] : memref<256x64xf32, #tpu.memory_space<vmem>> -> memref<1x64xf32, #tpu.memory_space<vmem>>
      %dma_start3A_134 = arith.constant 0 : i32
      %dma_start3A_135 = tpu.memref_slice %arg2[%squeeze3A_127, %dma_start3A_134] : memref<1000000x64xf32, #tpu.memory_space<hbm>> -> memref<1x64xf32, #tpu.memory_space<hbm>>
      %dma_start3A_136 = arith.constant 0 : i32
      %dma_start3A_137 = tpu.memref_slice %arg10[%add3A_131, %dma_start3A_136] : memref<256x64xf32, #tpu.memory_space<vmem>> -> memref<1x64xf32, #tpu.memory_space<vmem>>
      %dma_start3A_138 = arith.constant 0 : i32
      %dma_start3A_139 = tpu.memref_slice %arg2[%squeeze3A_127, %dma_start3A_138] : memref<1000000x64xf32, #tpu.memory_space<hbm>> -> memref<1x64xf32, #tpu.memory_space<hbm>>
      tpu.enqueue_dma source(%dma_start3A_139 : memref<1x64xf32, #tpu.memory_space<hbm>>) target(%dma_start3A_137 : memref<1x64xf32, #tpu.memory_space<vmem>>) target_semaphore(%arg11 : memref<!tpu.dma_semaphore, #tpu.memory_space<semaphore_mem>>)
      %slice3A_140 = vector.extract_strided_slice %get3A_51 {offsets = [3], sizes = [1], strides = [1]} : vector<16xi32> to vector<1xi32>
      %squeeze3A_141 = vector.extract %slice3A_140[0] : i32 from vector<1xi32>
      %mul3A_142 = arith.constant 16 : i32
      %mul3A_143 = arith.muli %scan3A_45, %mul3A_142 : i32
      %add3A_144 = arith.constant 3 : i32
      %add3A_145 = arith.addi %mul3A_143, %add3A_144 : i32
      %dma_start3A_146 = arith.constant 0 : i32
      %dma_start3A_147 = tpu.memref_slice %arg9[%add3A_145, %dma_start3A_146] : memref<256x64xf32, #tpu.memory_space<vmem>> -> memref<1x64xf32, #tpu.memory_space<vmem>>
      %dma_start3A_148 = arith.constant 0 : i32
      %dma_start3A_149 = tpu.memref_slice %arg2[%squeeze3A_141, %dma_start3A_148] : memref<1000000x64xf32, #tpu.memory_space<hbm>> -> memref<1x64xf32, #tpu.memory_space<hbm>>
      %dma_start3A_150 = arith.constant 0 : i32
      %dma_start3A_151 = tpu.memref_slice %arg9[%add3A_145, %dma_start3A_150] : memref<256x64xf32, #tpu.memory_space<vmem>> -> memref<1x64xf32, #tpu.memory_space<vmem>>
      %dma_start3A_152 = arith.constant 0 : i32
      %dma_start3A_153 = tpu.memref_slice %arg2[%squeeze3A_141, %dma_start3A_152] : memref<1000000x64xf32, #tpu.memory_space<hbm>> -> memref<1x64xf32, #tpu.memory_space<hbm>>
      tpu.enqueue_dma source(%dma_start3A_153 : memref<1x64xf32, #tpu.memory_space<hbm>>) target(%dma_start3A_151 : memref<1x64xf32, #tpu.memory_space<vmem>>) target_semaphore(%arg11 : memref<!tpu.dma_semaphore, #tpu.memory_space<semaphore_mem>>)
      %slice3A_154 = vector.extract_strided_slice %get3A_58 {offsets = [3], sizes = [1], strides = [1]} : vector<16xi32> to vector<1xi32>
      %squeeze3A_155 = vector.extract %slice3A_154[0] : i32 from vector<1xi32>
      %mul3A_156 = arith.constant 16 : i32
      %mul3A_157 = arith.muli %scan3A_45, %mul3A_156 : i32
      %add3A_158 = arith.constant 3 : i32
      %add3A_159 = arith.addi %mul3A_157, %add3A_158 : i32
      %dma_start3A_160 = arith.constant 0 : i32
      %dma_start3A_161 = tpu.memref_slice %arg10[%add3A_159, %dma_start3A_160] : memref<256x64xf32, #tpu.memory_space<vmem>> -> memref<1x64xf32, #tpu.memory_space<vmem>>
      %dma_start3A_162 = arith.constant 0 : i32
      %dma_start3A_163 = tpu.memref_slice %arg2[%squeeze3A_155, %dma_start3A_162] : memref<1000000x64xf32, #tpu.memory_space<hbm>> -> memref<1x64xf32, #tpu.memory_space<hbm>>
      %dma_start3A_164 = arith.constant 0 : i32
      %dma_start3A_165 = tpu.memref_slice %arg10[%add3A_159, %dma_start3A_164] : memref<256x64xf32, #tpu.memory_space<vmem>> -> memref<1x64xf32, #tpu.memory_space<vmem>>
      %dma_start3A_166 = arith.constant 0 : i32
      %dma_start3A_167 = tpu.memref_slice %arg2[%squeeze3A_155, %dma_start3A_166] : memref<1000000x64xf32, #tpu.memory_space<hbm>> -> memref<1x64xf32, #tpu.memory_space<hbm>>
      tpu.enqueue_dma source(%dma_start3A_167 : memref<1x64xf32, #tpu.memory_space<hbm>>) target(%dma_start3A_165 : memref<1x64xf32, #tpu.memory_space<vmem>>) target_semaphore(%arg11 : memref<!tpu.dma_semaphore, #tpu.memory_space<semaphore_mem>>)
      %slice3A_168 = vector.extract_strided_slice %get3A_51 {offsets = [4], sizes = [1], strides = [1]} : vector<16xi32> to vector<1xi32>
      %squeeze3A_169 = vector.extract %slice3A_168[0] : i32 from vector<1xi32>
      %mul3A_170 = arith.constant 16 : i32
      %mul3A_171 = arith.muli %scan3A_45, %mul3A_170 : i32
      %add3A_172 = arith.constant 4 : i32
      %add3A_173 = arith.addi %mul3A_171, %add3A_172 : i32
      %dma_start3A_174 = arith.constant 0 : i32
      %dma_start3A_175 = tpu.memref_slice %arg9[%add3A_173, %dma_start3A_174] : memref<256x64xf32, #tpu.memory_space<vmem>> -> memref<1x64xf32, #tpu.memory_space<vmem>>
      %dma_start3A_176 = arith.constant 0 : i32
      %dma_start3A_177 = tpu.memref_slice %arg2[%squeeze3A_169, %dma_start3A_176] : memref<1000000x64xf32, #tpu.memory_space<hbm>> -> memref<1x64xf32, #tpu.memory_space<hbm>>
      %dma_start3A_178 = arith.constant 0 : i32
      %dma_start3A_179 = tpu.memref_slice %arg9[%add3A_173, %dma_start3A_178] : memref<256x64xf32, #tpu.memory_space<vmem>> -> memref<1x64xf32, #tpu.memory_space<vmem>>
      %dma_start3A_180 = arith.constant 0 : i32
      %dma_start3A_181 = tpu.memref_slice %arg2[%squeeze3A_169, %dma_start3A_180] : memref<1000000x64xf32, #tpu.memory_space<hbm>> -> memref<1x64xf32, #tpu.memory_space<hbm>>
      tpu.enqueue_dma source(%dma_start3A_181 : memref<1x64xf32, #tpu.memory_space<hbm>>) target(%dma_start3A_179 : memref<1x64xf32, #tpu.memory_space<vmem>>) target_semaphore(%arg11 : memref<!tpu.dma_semaphore, #tpu.memory_space<semaphore_mem>>)
      %slice3A_182 = vector.extract_strided_slice %get3A_58 {offsets = [4], sizes = [1], strides = [1]} : vector<16xi32> to vector<1xi32>
      %squeeze3A_183 = vector.extract %slice3A_182[0] : i32 from vector<1xi32>
      %mul3A_184 = arith.constant 16 : i32
      %mul3A_185 = arith.muli %scan3A_45, %mul3A_184 : i32
      %add3A_186 = arith.constant 4 : i32
      %add3A_187 = arith.addi %mul3A_185, %add3A_186 : i32
      %dma_start3A_188 = arith.constant 0 : i32
      %dma_start3A_189 = tpu.memref_slice %arg10[%add3A_187, %dma_start3A_188] : memref<256x64xf32, #tpu.memory_space<vmem>> -> memref<1x64xf32, #tpu.memory_space<vmem>>
      %dma_start3A_190 = arith.constant 0 : i32
      %dma_start3A_191 = tpu.memref_slice %arg2[%squeeze3A_183, %dma_start3A_190] : memref<1000000x64xf32, #tpu.memory_space<hbm>> -> memref<1x64xf32, #tpu.memory_space<hbm>>
      %dma_start3A_192 = arith.constant 0 : i32
      %dma_start3A_193 = tpu.memref_slice %arg10[%add3A_187, %dma_start3A_192] : memref<256x64xf32, #tpu.memory_space<vmem>> -> memref<1x64xf32, #tpu.memory_space<vmem>>
      %dma_start3A_194 = arith.constant 0 : i32
      %dma_start3A_195 = tpu.memref_slice %arg2[%squeeze3A_183, %dma_start3A_194] : memref<1000000x64xf32, #tpu.memory_space<hbm>> -> memref<1x64xf32, #tpu.memory_space<hbm>>
      tpu.enqueue_dma source(%dma_start3A_195 : memref<1x64xf32, #tpu.memory_space<hbm>>) target(%dma_start3A_193 : memref<1x64xf32, #tpu.memory_space<vmem>>) target_semaphore(%arg11 : memref<!tpu.dma_semaphore, #tpu.memory_space<semaphore_mem>>)
      %slice3A_196 = vector.extract_strided_slice %get3A_51 {offsets = [5], sizes = [1], strides = [1]} : vector<16xi32> to vector<1xi32>
      %squeeze3A_197 = vector.extract %slice3A_196[0] : i32 from vector<1xi32>
      %mul3A_198 = arith.constant 16 : i32
      %mul3A_199 = arith.muli %scan3A_45, %mul3A_198 : i32
      %add3A_200 = arith.constant 5 : i32
      %add3A_201 = arith.addi %mul3A_199, %add3A_200 : i32
      %dma_start3A_202 = arith.constant 0 : i32
      %dma_start3A_203 = tpu.memref_slice %arg9[%add3A_201, %dma_start3A_202] : memref<256x64xf32, #tpu.memory_space<vmem>> -> memref<1x64xf32, #tpu.memory_space<vmem>>
      %dma_start3A_204 = arith.constant 0 : i32
      %dma_start3A_205 = tpu.memref_slice %arg2[%squeeze3A_197, %dma_start3A_204] : memref<1000000x64xf32, #tpu.memory_space<hbm>> -> memref<1x64xf32, #tpu.memory_space<hbm>>
      %dma_start3A_206 = arith.constant 0 : i32
      %dma_start3A_207 = tpu.memref_slice %arg9[%add3A_201, %dma_start3A_206] : memref<256x64xf32, #tpu.memory_space<vmem>> -> memref<1x64xf32, #tpu.memory_space<vmem>>
      %dma_start3A_208 = arith.constant 0 : i32
      %dma_start3A_209 = tpu.memref_slice %arg2[%squeeze3A_197, %dma_start3A_208] : memref<1000000x64xf32, #tpu.memory_space<hbm>> -> memref<1x64xf32, #tpu.memory_space<hbm>>
      tpu.enqueue_dma source(%dma_start3A_209 : memref<1x64xf32, #tpu.memory_space<hbm>>) target(%dma_start3A_207 : memref<1x64xf32, #tpu.memory_space<vmem>>) target_semaphore(%arg11 : memref<!tpu.dma_semaphore, #tpu.memory_space<semaphore_mem>>)
      %slice3A_210 = vector.extract_strided_slice %get3A_58 {offsets = [5], sizes = [1], strides = [1]} : vector<16xi32> to vector<1xi32>
      %squeeze3A_211 = vector.extract %slice3A_210[0] : i32 from vector<1xi32>
      %mul3A_212 = arith.constant 16 : i32
      %mul3A_213 = arith.muli %scan3A_45, %mul3A_212 : i32
      %add3A_214 = arith.constant 5 : i32
      %add3A_215 = arith.addi %mul3A_213, %add3A_214 : i32
      %dma_start3A_216 = arith.constant 0 : i32
      %dma_start3A_217 = tpu.memref_slice %arg10[%add3A_215, %dma_start3A_216] : memref<256x64xf32, #tpu.memory_space<vmem>> -> memref<1x64xf32, #tpu.memory_space<vmem>>
      %dma_start3A_218 = arith.constant 0 : i32
      %dma_start3A_219 = tpu.memref_slice %arg2[%squeeze3A_211, %dma_start3A_218] : memref<1000000x64xf32, #tpu.memory_space<hbm>> -> memref<1x64xf32, #tpu.memory_space<hbm>>
      %dma_start3A_220 = arith.constant 0 : i32
      %dma_start3A_221 = tpu.memref_slice %arg10[%add3A_215, %dma_start3A_220] : memref<256x64xf32, #tpu.memory_space<vmem>> -> memref<1x64xf32, #tpu.memory_space<vmem>>
      %dma_start3A_222 = arith.constant 0 : i32
      %dma_start3A_223 = tpu.memref_slice %arg2[%squeeze3A_211, %dma_start3A_222] : memref<1000000x64xf32, #tpu.memory_space<hbm>> -> memref<1x64xf32, #tpu.memory_space<hbm>>
      tpu.enqueue_dma source(%dma_start3A_223 : memref<1x64xf32, #tpu.memory_space<hbm>>) target(%dma_start3A_221 : memref<1x64xf32, #tpu.memory_space<vmem>>) target_semaphore(%arg11 : memref<!tpu.dma_semaphore, #tpu.memory_space<semaphore_mem>>)
      %slice3A_224 = vector.extract_strided_slice %get3A_51 {offsets = [6], sizes = [1], strides = [1]} : vector<16xi32> to vector<1xi32>
      %squeeze3A_225 = vector.extract %slice3A_224[0] : i32 from vector<1xi32>
      %mul3A_226 = arith.constant 16 : i32
      %mul3A_227 = arith.muli %scan3A_45, %mul3A_226 : i32
      %add3A_228 = arith.constant 6 : i32
      %add3A_229 = arith.addi %mul3A_227, %add3A_228 : i32
      %dma_start3A_230 = arith.constant 0 : i32
      %dma_start3A_231 = tpu.memref_slice %arg9[%add3A_229, %dma_start3A_230] : memref<256x64xf32, #tpu.memory_space<vmem>> -> memref<1x64xf32, #tpu.memory_space<vmem>>
      %dma_start3A_232 = arith.constant 0 : i32
      %dma_start3A_233 = tpu.memref_slice %arg2[%squeeze3A_225, %dma_start3A_232] : memref<1000000x64xf32, #tpu.memory_space<hbm>> -> memref<1x64xf32, #tpu.memory_space<hbm>>
      %dma_start3A_234 = arith.constant 0 : i32
      %dma_start3A_235 = tpu.memref_slice %arg9[%add3A_229, %dma_start3A_234] : memref<256x64xf32, #tpu.memory_space<vmem>> -> memref<1x64xf32, #tpu.memory_space<vmem>>
      %dma_start3A_236 = arith.constant 0 : i32
      %dma_start3A_237 = tpu.memref_slice %arg2[%squeeze3A_225, %dma_start3A_236] : memref<1000000x64xf32, #tpu.memory_space<hbm>> -> memref<1x64xf32, #tpu.memory_space<hbm>>
      tpu.enqueue_dma source(%dma_start3A_237 : memref<1x64xf32, #tpu.memory_space<hbm>>) target(%dma_start3A_235 : memref<1x64xf32, #tpu.memory_space<vmem>>) target_semaphore(%arg11 : memref<!tpu.dma_semaphore, #tpu.memory_space<semaphore_mem>>)
      %slice3A_238 = vector.extract_strided_slice %get3A_58 {offsets = [6], sizes = [1], strides = [1]} : vector<16xi32> to vector<1xi32>
      %squeeze3A_239 = vector.extract %slice3A_238[0] : i32 from vector<1xi32>
      %mul3A_240 = arith.constant 16 : i32
      %mul3A_241 = arith.muli %scan3A_45, %mul3A_240 : i32
      %add3A_242 = arith.constant 6 : i32
      %add3A_243 = arith.addi %mul3A_241, %add3A_242 : i32
      %dma_start3A_244 = arith.constant 0 : i32
      %dma_start3A_245 = tpu.memref_slice %arg10[%add3A_243, %dma_start3A_244] : memref<256x64xf32, #tpu.memory_space<vmem>> -> memref<1x64xf32, #tpu.memory_space<vmem>>
      %dma_start3A_246 = arith.constant 0 : i32
      %dma_start3A_247 = tpu.memref_slice %arg2[%squeeze3A_239, %dma_start3A_246] : memref<1000000x64xf32, #tpu.memory_space<hbm>> -> memref<1x64xf32, #tpu.memory_space<hbm>>
      %dma_start3A_248 = arith.constant 0 : i32
      %dma_start3A_249 = tpu.memref_slice %arg10[%add3A_243, %dma_start3A_248] : memref<256x64xf32, #tpu.memory_space<vmem>> -> memref<1x64xf32, #tpu.memory_space<vmem>>
      %dma_start3A_250 = arith.constant 0 : i32
      %dma_start3A_251 = tpu.memref_slice %arg2[%squeeze3A_239, %dma_start3A_250] : memref<1000000x64xf32, #tpu.memory_space<hbm>> -> memref<1x64xf32, #tpu.memory_space<hbm>>
      tpu.enqueue_dma source(%dma_start3A_251 : memref<1x64xf32, #tpu.memory_space<hbm>>) target(%dma_start3A_249 : memref<1x64xf32, #tpu.memory_space<vmem>>) target_semaphore(%arg11 : memref<!tpu.dma_semaphore, #tpu.memory_space<semaphore_mem>>)
      %slice3A_252 = vector.extract_strided_slice %get3A_51 {offsets = [7], sizes = [1], strides = [1]} : vector<16xi32> to vector<1xi32>
      %squeeze3A_253 = vector.extract %slice3A_252[0] : i32 from vector<1xi32>
      %mul3A_254 = arith.constant 16 : i32
      %mul3A_255 = arith.muli %scan3A_45, %mul3A_254 : i32
      %add3A_256 = arith.constant 7 : i32
      %add3A_257 = arith.addi %mul3A_255, %add3A_256 : i32
      %dma_start3A_258 = arith.constant 0 : i32
      %dma_start3A_259 = tpu.memref_slice %arg9[%add3A_257, %dma_start3A_258] : memref<256x64xf32, #tpu.memory_space<vmem>> -> memref<1x64xf32, #tpu.memory_space<vmem>>
      %dma_start3A_260 = arith.constant 0 : i32
      %dma_start3A_261 = tpu.memref_slice %arg2[%squeeze3A_253, %dma_start3A_260] : memref<1000000x64xf32, #tpu.memory_space<hbm>> -> memref<1x64xf32, #tpu.memory_space<hbm>>
      %dma_start3A_262 = arith.constant 0 : i32
      %dma_start3A_263 = tpu.memref_slice %arg9[%add3A_257, %dma_start3A_262] : memref<256x64xf32, #tpu.memory_space<vmem>> -> memref<1x64xf32, #tpu.memory_space<vmem>>
      %dma_start3A_264 = arith.constant 0 : i32
      %dma_start3A_265 = tpu.memref_slice %arg2[%squeeze3A_253, %dma_start3A_264] : memref<1000000x64xf32, #tpu.memory_space<hbm>> -> memref<1x64xf32, #tpu.memory_space<hbm>>
      tpu.enqueue_dma source(%dma_start3A_265 : memref<1x64xf32, #tpu.memory_space<hbm>>) target(%dma_start3A_263 : memref<1x64xf32, #tpu.memory_space<vmem>>) target_semaphore(%arg11 : memref<!tpu.dma_semaphore, #tpu.memory_space<semaphore_mem>>)
      %slice3A_266 = vector.extract_strided_slice %get3A_58 {offsets = [7], sizes = [1], strides = [1]} : vector<16xi32> to vector<1xi32>
      %squeeze3A_267 = vector.extract %slice3A_266[0] : i32 from vector<1xi32>
      %mul3A_268 = arith.constant 16 : i32
      %mul3A_269 = arith.muli %scan3A_45, %mul3A_268 : i32
      %add3A_270 = arith.constant 7 : i32
      %add3A_271 = arith.addi %mul3A_269, %add3A_270 : i32
      %dma_start3A_272 = arith.constant 0 : i32
      %dma_start3A_273 = tpu.memref_slice %arg10[%add3A_271, %dma_start3A_272] : memref<256x64xf32, #tpu.memory_space<vmem>> -> memref<1x64xf32, #tpu.memory_space<vmem>>
      %dma_start3A_274 = arith.constant 0 : i32
      %dma_start3A_275 = tpu.memref_slice %arg2[%squeeze3A_267, %dma_start3A_274] : memref<1000000x64xf32, #tpu.memory_space<hbm>> -> memref<1x64xf32, #tpu.memory_space<hbm>>
      %dma_start3A_276 = arith.constant 0 : i32
      %dma_start3A_277 = tpu.memref_slice %arg10[%add3A_271, %dma_start3A_276] : memref<256x64xf32, #tpu.memory_space<vmem>> -> memref<1x64xf32, #tpu.memory_space<vmem>>
      %dma_start3A_278 = arith.constant 0 : i32
      %dma_start3A_279 = tpu.memref_slice %arg2[%squeeze3A_267, %dma_start3A_278] : memref<1000000x64xf32, #tpu.memory_space<hbm>> -> memref<1x64xf32, #tpu.memory_space<hbm>>
      tpu.enqueue_dma source(%dma_start3A_279 : memref<1x64xf32, #tpu.memory_space<hbm>>) target(%dma_start3A_277 : memref<1x64xf32, #tpu.memory_space<vmem>>) target_semaphore(%arg11 : memref<!tpu.dma_semaphore, #tpu.memory_space<semaphore_mem>>)
      %slice3A_280 = vector.extract_strided_slice %get3A_51 {offsets = [8], sizes = [1], strides = [1]} : vector<16xi32> to vector<1xi32>
      %squeeze3A_281 = vector.extract %slice3A_280[0] : i32 from vector<1xi32>
      %mul3A_282 = arith.constant 16 : i32
      %mul3A_283 = arith.muli %scan3A_45, %mul3A_282 : i32
      %add3A_284 = arith.constant 8 : i32
      %add3A_285 = arith.addi %mul3A_283, %add3A_284 : i32
      %dma_start3A_286 = arith.constant 0 : i32
      %dma_start3A_287 = tpu.memref_slice %arg9[%add3A_285, %dma_start3A_286] : memref<256x64xf32, #tpu.memory_space<vmem>> -> memref<1x64xf32, #tpu.memory_space<vmem>>
      %dma_start3A_288 = arith.constant 0 : i32
      %dma_start3A_289 = tpu.memref_slice %arg2[%squeeze3A_281, %dma_start3A_288] : memref<1000000x64xf32, #tpu.memory_space<hbm>> -> memref<1x64xf32, #tpu.memory_space<hbm>>
      %dma_start3A_290 = arith.constant 0 : i32
      %dma_start3A_291 = tpu.memref_slice %arg9[%add3A_285, %dma_start3A_290] : memref<256x64xf32, #tpu.memory_space<vmem>> -> memref<1x64xf32, #tpu.memory_space<vmem>>
      %dma_start3A_292 = arith.constant 0 : i32
      %dma_start3A_293 = tpu.memref_slice %arg2[%squeeze3A_281, %dma_start3A_292] : memref<1000000x64xf32, #tpu.memory_space<hbm>> -> memref<1x64xf32, #tpu.memory_space<hbm>>
      tpu.enqueue_dma source(%dma_start3A_293 : memref<1x64xf32, #tpu.memory_space<hbm>>) target(%dma_start3A_291 : memref<1x64xf32, #tpu.memory_space<vmem>>) target_semaphore(%arg11 : memref<!tpu.dma_semaphore, #tpu.memory_space<semaphore_mem>>)
      %slice3A_294 = vector.extract_strided_slice %get3A_58 {offsets = [8], sizes = [1], strides = [1]} : vector<16xi32> to vector<1xi32>
      %squeeze3A_295 = vector.extract %slice3A_294[0] : i32 from vector<1xi32>
      %mul3A_296 = arith.constant 16 : i32
      %mul3A_297 = arith.muli %scan3A_45, %mul3A_296 : i32
      %add3A_298 = arith.constant 8 : i32
      %add3A_299 = arith.addi %mul3A_297, %add3A_298 : i32
      %dma_start3A_300 = arith.constant 0 : i32
      %dma_start3A_301 = tpu.memref_slice %arg10[%add3A_299, %dma_start3A_300] : memref<256x64xf32, #tpu.memory_space<vmem>> -> memref<1x64xf32, #tpu.memory_space<vmem>>
      %dma_start3A_302 = arith.constant 0 : i32
      %dma_start3A_303 = tpu.memref_slice %arg2[%squeeze3A_295, %dma_start3A_302] : memref<1000000x64xf32, #tpu.memory_space<hbm>> -> memref<1x64xf32, #tpu.memory_space<hbm>>
      %dma_start3A_304 = arith.constant 0 : i32
      %dma_start3A_305 = tpu.memref_slice %arg10[%add3A_299, %dma_start3A_304] : memref<256x64xf32, #tpu.memory_space<vmem>> -> memref<1x64xf32, #tpu.memory_space<vmem>>
      %dma_start3A_306 = arith.constant 0 : i32
      %dma_start3A_307 = tpu.memref_slice %arg2[%squeeze3A_295, %dma_start3A_306] : memref<1000000x64xf32, #tpu.memory_space<hbm>> -> memref<1x64xf32, #tpu.memory_space<hbm>>
      tpu.enqueue_dma source(%dma_start3A_307 : memref<1x64xf32, #tpu.memory_space<hbm>>) target(%dma_start3A_305 : memref<1x64xf32, #tpu.memory_space<vmem>>) target_semaphore(%arg11 : memref<!tpu.dma_semaphore, #tpu.memory_space<semaphore_mem>>)
      %slice3A_308 = vector.extract_strided_slice %get3A_51 {offsets = [9], sizes = [1], strides = [1]} : vector<16xi32> to vector<1xi32>
      %squeeze3A_309 = vector.extract %slice3A_308[0] : i32 from vector<1xi32>
      %mul3A_310 = arith.constant 16 : i32
      %mul3A_311 = arith.muli %scan3A_45, %mul3A_310 : i32
      %add3A_312 = arith.constant 9 : i32
      %add3A_313 = arith.addi %mul3A_311, %add3A_312 : i32
      %dma_start3A_314 = arith.constant 0 : i32
      %dma_start3A_315 = tpu.memref_slice %arg9[%add3A_313, %dma_start3A_314] : memref<256x64xf32, #tpu.memory_space<vmem>> -> memref<1x64xf32, #tpu.memory_space<vmem>>
      %dma_start3A_316 = arith.constant 0 : i32
      %dma_start3A_317 = tpu.memref_slice %arg2[%squeeze3A_309, %dma_start3A_316] : memref<1000000x64xf32, #tpu.memory_space<hbm>> -> memref<1x64xf32, #tpu.memory_space<hbm>>
      %dma_start3A_318 = arith.constant 0 : i32
      %dma_start3A_319 = tpu.memref_slice %arg9[%add3A_313, %dma_start3A_318] : memref<256x64xf32, #tpu.memory_space<vmem>> -> memref<1x64xf32, #tpu.memory_space<vmem>>
      %dma_start3A_320 = arith.constant 0 : i32
      %dma_start3A_321 = tpu.memref_slice %arg2[%squeeze3A_309, %dma_start3A_320] : memref<1000000x64xf32, #tpu.memory_space<hbm>> -> memref<1x64xf32, #tpu.memory_space<hbm>>
      tpu.enqueue_dma source(%dma_start3A_321 : memref<1x64xf32, #tpu.memory_space<hbm>>) target(%dma_start3A_319 : memref<1x64xf32, #tpu.memory_space<vmem>>) target_semaphore(%arg11 : memref<!tpu.dma_semaphore, #tpu.memory_space<semaphore_mem>>)
      %slice3A_322 = vector.extract_strided_slice %get3A_58 {offsets = [9], sizes = [1], strides = [1]} : vector<16xi32> to vector<1xi32>
      %squeeze3A_323 = vector.extract %slice3A_322[0] : i32 from vector<1xi32>
      %mul3A_324 = arith.constant 16 : i32
      %mul3A_325 = arith.muli %scan3A_45, %mul3A_324 : i32
      %add3A_326 = arith.constant 9 : i32
      %add3A_327 = arith.addi %mul3A_325, %add3A_326 : i32
      %dma_start3A_328 = arith.constant 0 : i32
      %dma_start3A_329 = tpu.memref_slice %arg10[%add3A_327, %dma_start3A_328] : memref<256x64xf32, #tpu.memory_space<vmem>> -> memref<1x64xf32, #tpu.memory_space<vmem>>
      %dma_start3A_330 = arith.constant 0 : i32
      %dma_start3A_331 = tpu.memref_slice %arg2[%squeeze3A_323, %dma_start3A_330] : memref<1000000x64xf32, #tpu.memory_space<hbm>> -> memref<1x64xf32, #tpu.memory_space<hbm>>
      %dma_start3A_332 = arith.constant 0 : i32
      %dma_start3A_333 = tpu.memref_slice %arg10[%add3A_327, %dma_start3A_332] : memref<256x64xf32, #tpu.memory_space<vmem>> -> memref<1x64xf32, #tpu.memory_space<vmem>>
      %dma_start3A_334 = arith.constant 0 : i32
      %dma_start3A_335 = tpu.memref_slice %arg2[%squeeze3A_323, %dma_start3A_334] : memref<1000000x64xf32, #tpu.memory_space<hbm>> -> memref<1x64xf32, #tpu.memory_space<hbm>>
      tpu.enqueue_dma source(%dma_start3A_335 : memref<1x64xf32, #tpu.memory_space<hbm>>) target(%dma_start3A_333 : memref<1x64xf32, #tpu.memory_space<vmem>>) target_semaphore(%arg11 : memref<!tpu.dma_semaphore, #tpu.memory_space<semaphore_mem>>)
      %slice3A_336 = vector.extract_strided_slice %get3A_51 {offsets = [10], sizes = [1], strides = [1]} : vector<16xi32> to vector<1xi32>
      %squeeze3A_337 = vector.extract %slice3A_336[0] : i32 from vector<1xi32>
      %mul3A_338 = arith.constant 16 : i32
      %mul3A_339 = arith.muli %scan3A_45, %mul3A_338 : i32
      %add3A_340 = arith.constant 10 : i32
      %add3A_341 = arith.addi %mul3A_339, %add3A_340 : i32
      %dma_start3A_342 = arith.constant 0 : i32
      %dma_start3A_343 = tpu.memref_slice %arg9[%add3A_341, %dma_start3A_342] : memref<256x64xf32, #tpu.memory_space<vmem>> -> memref<1x64xf32, #tpu.memory_space<vmem>>
      %dma_start3A_344 = arith.constant 0 : i32
      %dma_start3A_345 = tpu.memref_slice %arg2[%squeeze3A_337, %dma_start3A_344] : memref<1000000x64xf32, #tpu.memory_space<hbm>> -> memref<1x64xf32, #tpu.memory_space<hbm>>
      %dma_start3A_346 = arith.constant 0 : i32
      %dma_start3A_347 = tpu.memref_slice %arg9[%add3A_341, %dma_start3A_346] : memref<256x64xf32, #tpu.memory_space<vmem>> -> memref<1x64xf32, #tpu.memory_space<vmem>>
      %dma_start3A_348 = arith.constant 0 : i32
      %dma_start3A_349 = tpu.memref_slice %arg2[%squeeze3A_337, %dma_start3A_348] : memref<1000000x64xf32, #tpu.memory_space<hbm>> -> memref<1x64xf32, #tpu.memory_space<hbm>>
      tpu.enqueue_dma source(%dma_start3A_349 : memref<1x64xf32, #tpu.memory_space<hbm>>) target(%dma_start3A_347 : memref<1x64xf32, #tpu.memory_space<vmem>>) target_semaphore(%arg11 : memref<!tpu.dma_semaphore, #tpu.memory_space<semaphore_mem>>)
      %slice3A_350 = vector.extract_strided_slice %get3A_58 {offsets = [10], sizes = [1], strides = [1]} : vector<16xi32> to vector<1xi32>
      %squeeze3A_351 = vector.extract %slice3A_350[0] : i32 from vector<1xi32>
      %mul3A_352 = arith.constant 16 : i32
      %mul3A_353 = arith.muli %scan3A_45, %mul3A_352 : i32
      %add3A_354 = arith.constant 10 : i32
      %add3A_355 = arith.addi %mul3A_353, %add3A_354 : i32
      %dma_start3A_356 = arith.constant 0 : i32
      %dma_start3A_357 = tpu.memref_slice %arg10[%add3A_355, %dma_start3A_356] : memref<256x64xf32, #tpu.memory_space<vmem>> -> memref<1x64xf32, #tpu.memory_space<vmem>>
      %dma_start3A_358 = arith.constant 0 : i32
      %dma_start3A_359 = tpu.memref_slice %arg2[%squeeze3A_351, %dma_start3A_358] : memref<1000000x64xf32, #tpu.memory_space<hbm>> -> memref<1x64xf32, #tpu.memory_space<hbm>>
      %dma_start3A_360 = arith.constant 0 : i32
      %dma_start3A_361 = tpu.memref_slice %arg10[%add3A_355, %dma_start3A_360] : memref<256x64xf32, #tpu.memory_space<vmem>> -> memref<1x64xf32, #tpu.memory_space<vmem>>
      %dma_start3A_362 = arith.constant 0 : i32
      %dma_start3A_363 = tpu.memref_slice %arg2[%squeeze3A_351, %dma_start3A_362] : memref<1000000x64xf32, #tpu.memory_space<hbm>> -> memref<1x64xf32, #tpu.memory_space<hbm>>
      tpu.enqueue_dma source(%dma_start3A_363 : memref<1x64xf32, #tpu.memory_space<hbm>>) target(%dma_start3A_361 : memref<1x64xf32, #tpu.memory_space<vmem>>) target_semaphore(%arg11 : memref<!tpu.dma_semaphore, #tpu.memory_space<semaphore_mem>>)
      %slice3A_364 = vector.extract_strided_slice %get3A_51 {offsets = [11], sizes = [1], strides = [1]} : vector<16xi32> to vector<1xi32>
      %squeeze3A_365 = vector.extract %slice3A_364[0] : i32 from vector<1xi32>
      %mul3A_366 = arith.constant 16 : i32
      %mul3A_367 = arith.muli %scan3A_45, %mul3A_366 : i32
      %add3A_368 = arith.constant 11 : i32
      %add3A_369 = arith.addi %mul3A_367, %add3A_368 : i32
      %dma_start3A_370 = arith.constant 0 : i32
      %dma_start3A_371 = tpu.memref_slice %arg9[%add3A_369, %dma_start3A_370] : memref<256x64xf32, #tpu.memory_space<vmem>> -> memref<1x64xf32, #tpu.memory_space<vmem>>
      %dma_start3A_372 = arith.constant 0 : i32
      %dma_start3A_373 = tpu.memref_slice %arg2[%squeeze3A_365, %dma_start3A_372] : memref<1000000x64xf32, #tpu.memory_space<hbm>> -> memref<1x64xf32, #tpu.memory_space<hbm>>
      %dma_start3A_374 = arith.constant 0 : i32
      %dma_start3A_375 = tpu.memref_slice %arg9[%add3A_369, %dma_start3A_374] : memref<256x64xf32, #tpu.memory_space<vmem>> -> memref<1x64xf32, #tpu.memory_space<vmem>>
      %dma_start3A_376 = arith.constant 0 : i32
      %dma_start3A_377 = tpu.memref_slice %arg2[%squeeze3A_365, %dma_start3A_376] : memref<1000000x64xf32, #tpu.memory_space<hbm>> -> memref<1x64xf32, #tpu.memory_space<hbm>>
      tpu.enqueue_dma source(%dma_start3A_377 : memref<1x64xf32, #tpu.memory_space<hbm>>) target(%dma_start3A_375 : memref<1x64xf32, #tpu.memory_space<vmem>>) target_semaphore(%arg11 : memref<!tpu.dma_semaphore, #tpu.memory_space<semaphore_mem>>)
      %slice3A_378 = vector.extract_strided_slice %get3A_58 {offsets = [11], sizes = [1], strides = [1]} : vector<16xi32> to vector<1xi32>
      %squeeze3A_379 = vector.extract %slice3A_378[0] : i32 from vector<1xi32>
      %mul3A_380 = arith.constant 16 : i32
      %mul3A_381 = arith.muli %scan3A_45, %mul3A_380 : i32
      %add3A_382 = arith.constant 11 : i32
      %add3A_383 = arith.addi %mul3A_381, %add3A_382 : i32
      %dma_start3A_384 = arith.constant 0 : i32
      %dma_start3A_385 = tpu.memref_slice %arg10[%add3A_383, %dma_start3A_384] : memref<256x64xf32, #tpu.memory_space<vmem>> -> memref<1x64xf32, #tpu.memory_space<vmem>>
      %dma_start3A_386 = arith.constant 0 : i32
      %dma_start3A_387 = tpu.memref_slice %arg2[%squeeze3A_379, %dma_start3A_386] : memref<1000000x64xf32, #tpu.memory_space<hbm>> -> memref<1x64xf32, #tpu.memory_space<hbm>>
      %dma_start3A_388 = arith.constant 0 : i32
      %dma_start3A_389 = tpu.memref_slice %arg10[%add3A_383, %dma_start3A_388] : memref<256x64xf32, #tpu.memory_space<vmem>> -> memref<1x64xf32, #tpu.memory_space<vmem>>
      %dma_start3A_390 = arith.constant 0 : i32
      %dma_start3A_391 = tpu.memref_slice %arg2[%squeeze3A_379, %dma_start3A_390] : memref<1000000x64xf32, #tpu.memory_space<hbm>> -> memref<1x64xf32, #tpu.memory_space<hbm>>
      tpu.enqueue_dma source(%dma_start3A_391 : memref<1x64xf32, #tpu.memory_space<hbm>>) target(%dma_start3A_389 : memref<1x64xf32, #tpu.memory_space<vmem>>) target_semaphore(%arg11 : memref<!tpu.dma_semaphore, #tpu.memory_space<semaphore_mem>>)
      %slice3A_392 = vector.extract_strided_slice %get3A_51 {offsets = [12], sizes = [1], strides = [1]} : vector<16xi32> to vector<1xi32>
      %squeeze3A_393 = vector.extract %slice3A_392[0] : i32 from vector<1xi32>
      %mul3A_394 = arith.constant 16 : i32
      %mul3A_395 = arith.muli %scan3A_45, %mul3A_394 : i32
      %add3A_396 = arith.constant 12 : i32
      %add3A_397 = arith.addi %mul3A_395, %add3A_396 : i32
      %dma_start3A_398 = arith.constant 0 : i32
      %dma_start3A_399 = tpu.memref_slice %arg9[%add3A_397, %dma_start3A_398] : memref<256x64xf32, #tpu.memory_space<vmem>> -> memref<1x64xf32, #tpu.memory_space<vmem>>
      %dma_start3A_400 = arith.constant 0 : i32
      %dma_start3A_401 = tpu.memref_slice %arg2[%squeeze3A_393, %dma_start3A_400] : memref<1000000x64xf32, #tpu.memory_space<hbm>> -> memref<1x64xf32, #tpu.memory_space<hbm>>
      %dma_start3A_402 = arith.constant 0 : i32
      %dma_start3A_403 = tpu.memref_slice %arg9[%add3A_397, %dma_start3A_402] : memref<256x64xf32, #tpu.memory_space<vmem>> -> memref<1x64xf32, #tpu.memory_space<vmem>>
      %dma_start3A_404 = arith.constant 0 : i32
      %dma_start3A_405 = tpu.memref_slice %arg2[%squeeze3A_393, %dma_start3A_404] : memref<1000000x64xf32, #tpu.memory_space<hbm>> -> memref<1x64xf32, #tpu.memory_space<hbm>>
      tpu.enqueue_dma source(%dma_start3A_405 : memref<1x64xf32, #tpu.memory_space<hbm>>) target(%dma_start3A_403 : memref<1x64xf32, #tpu.memory_space<vmem>>) target_semaphore(%arg11 : memref<!tpu.dma_semaphore, #tpu.memory_space<semaphore_mem>>)
      %slice3A_406 = vector.extract_strided_slice %get3A_58 {offsets = [12], sizes = [1], strides = [1]} : vector<16xi32> to vector<1xi32>
      %squeeze3A_407 = vector.extract %slice3A_406[0] : i32 from vector<1xi32>
      %mul3A_408 = arith.constant 16 : i32
      %mul3A_409 = arith.muli %scan3A_45, %mul3A_408 : i32
      %add3A_410 = arith.constant 12 : i32
      %add3A_411 = arith.addi %mul3A_409, %add3A_410 : i32
      %dma_start3A_412 = arith.constant 0 : i32
      %dma_start3A_413 = tpu.memref_slice %arg10[%add3A_411, %dma_start3A_412] : memref<256x64xf32, #tpu.memory_space<vmem>> -> memref<1x64xf32, #tpu.memory_space<vmem>>
      %dma_start3A_414 = arith.constant 0 : i32
      %dma_start3A_415 = tpu.memref_slice %arg2[%squeeze3A_407, %dma_start3A_414] : memref<1000000x64xf32, #tpu.memory_space<hbm>> -> memref<1x64xf32, #tpu.memory_space<hbm>>
      %dma_start3A_416 = arith.constant 0 : i32
      %dma_start3A_417 = tpu.memref_slice %arg10[%add3A_411, %dma_start3A_416] : memref<256x64xf32, #tpu.memory_space<vmem>> -> memref<1x64xf32, #tpu.memory_space<vmem>>
      %dma_start3A_418 = arith.constant 0 : i32
      %dma_start3A_419 = tpu.memref_slice %arg2[%squeeze3A_407, %dma_start3A_418] : memref<1000000x64xf32, #tpu.memory_space<hbm>> -> memref<1x64xf32, #tpu.memory_space<hbm>>
      tpu.enqueue_dma source(%dma_start3A_419 : memref<1x64xf32, #tpu.memory_space<hbm>>) target(%dma_start3A_417 : memref<1x64xf32, #tpu.memory_space<vmem>>) target_semaphore(%arg11 : memref<!tpu.dma_semaphore, #tpu.memory_space<semaphore_mem>>)
      %slice3A_420 = vector.extract_strided_slice %get3A_51 {offsets = [13], sizes = [1], strides = [1]} : vector<16xi32> to vector<1xi32>
      %squeeze3A_421 = vector.extract %slice3A_420[0] : i32 from vector<1xi32>
      %mul3A_422 = arith.constant 16 : i32
      %mul3A_423 = arith.muli %scan3A_45, %mul3A_422 : i32
      %add3A_424 = arith.constant 13 : i32
      %add3A_425 = arith.addi %mul3A_423, %add3A_424 : i32
      %dma_start3A_426 = arith.constant 0 : i32
      %dma_start3A_427 = tpu.memref_slice %arg9[%add3A_425, %dma_start3A_426] : memref<256x64xf32, #tpu.memory_space<vmem>> -> memref<1x64xf32, #tpu.memory_space<vmem>>
      %dma_start3A_428 = arith.constant 0 : i32
      %dma_start3A_429 = tpu.memref_slice %arg2[%squeeze3A_421, %dma_start3A_428] : memref<1000000x64xf32, #tpu.memory_space<hbm>> -> memref<1x64xf32, #tpu.memory_space<hbm>>
      %dma_start3A_430 = arith.constant 0 : i32
      %dma_start3A_431 = tpu.memref_slice %arg9[%add3A_425, %dma_start3A_430] : memref<256x64xf32, #tpu.memory_space<vmem>> -> memref<1x64xf32, #tpu.memory_space<vmem>>
      %dma_start3A_432 = arith.constant 0 : i32
      %dma_start3A_433 = tpu.memref_slice %arg2[%squeeze3A_421, %dma_start3A_432] : memref<1000000x64xf32, #tpu.memory_space<hbm>> -> memref<1x64xf32, #tpu.memory_space<hbm>>
      tpu.enqueue_dma source(%dma_start3A_433 : memref<1x64xf32, #tpu.memory_space<hbm>>) target(%dma_start3A_431 : memref<1x64xf32, #tpu.memory_space<vmem>>) target_semaphore(%arg11 : memref<!tpu.dma_semaphore, #tpu.memory_space<semaphore_mem>>)
      %slice3A_434 = vector.extract_strided_slice %get3A_58 {offsets = [13], sizes = [1], strides = [1]} : vector<16xi32> to vector<1xi32>
      %squeeze3A_435 = vector.extract %slice3A_434[0] : i32 from vector<1xi32>
      %mul3A_436 = arith.constant 16 : i32
      %mul3A_437 = arith.muli %scan3A_45, %mul3A_436 : i32
      %add3A_438 = arith.constant 13 : i32
      %add3A_439 = arith.addi %mul3A_437, %add3A_438 : i32
      %dma_start3A_440 = arith.constant 0 : i32
      %dma_start3A_441 = tpu.memref_slice %arg10[%add3A_439, %dma_start3A_440] : memref<256x64xf32, #tpu.memory_space<vmem>> -> memref<1x64xf32, #tpu.memory_space<vmem>>
      %dma_start3A_442 = arith.constant 0 : i32
      %dma_start3A_443 = tpu.memref_slice %arg2[%squeeze3A_435, %dma_start3A_442] : memref<1000000x64xf32, #tpu.memory_space<hbm>> -> memref<1x64xf32, #tpu.memory_space<hbm>>
      %dma_start3A_444 = arith.constant 0 : i32
      %dma_start3A_445 = tpu.memref_slice %arg10[%add3A_439, %dma_start3A_444] : memref<256x64xf32, #tpu.memory_space<vmem>> -> memref<1x64xf32, #tpu.memory_space<vmem>>
      %dma_start3A_446 = arith.constant 0 : i32
      %dma_start3A_447 = tpu.memref_slice %arg2[%squeeze3A_435, %dma_start3A_446] : memref<1000000x64xf32, #tpu.memory_space<hbm>> -> memref<1x64xf32, #tpu.memory_space<hbm>>
      tpu.enqueue_dma source(%dma_start3A_447 : memref<1x64xf32, #tpu.memory_space<hbm>>) target(%dma_start3A_445 : memref<1x64xf32, #tpu.memory_space<vmem>>) target_semaphore(%arg11 : memref<!tpu.dma_semaphore, #tpu.memory_space<semaphore_mem>>)
      %slice3A_448 = vector.extract_strided_slice %get3A_51 {offsets = [14], sizes = [1], strides = [1]} : vector<16xi32> to vector<1xi32>
      %squeeze3A_449 = vector.extract %slice3A_448[0] : i32 from vector<1xi32>
      %mul3A_450 = arith.constant 16 : i32
      %mul3A_451 = arith.muli %scan3A_45, %mul3A_450 : i32
      %add3A_452 = arith.constant 14 : i32
      %add3A_453 = arith.addi %mul3A_451, %add3A_452 : i32
      %dma_start3A_454 = arith.constant 0 : i32
      %dma_start3A_455 = tpu.memref_slice %arg9[%add3A_453, %dma_start3A_454] : memref<256x64xf32, #tpu.memory_space<vmem>> -> memref<1x64xf32, #tpu.memory_space<vmem>>
      %dma_start3A_456 = arith.constant 0 : i32
      %dma_start3A_457 = tpu.memref_slice %arg2[%squeeze3A_449, %dma_start3A_456] : memref<1000000x64xf32, #tpu.memory_space<hbm>> -> memref<1x64xf32, #tpu.memory_space<hbm>>
      %dma_start3A_458 = arith.constant 0 : i32
      %dma_start3A_459 = tpu.memref_slice %arg9[%add3A_453, %dma_start3A_458] : memref<256x64xf32, #tpu.memory_space<vmem>> -> memref<1x64xf32, #tpu.memory_space<vmem>>
      %dma_start3A_460 = arith.constant 0 : i32
      %dma_start3A_461 = tpu.memref_slice %arg2[%squeeze3A_449, %dma_start3A_460] : memref<1000000x64xf32, #tpu.memory_space<hbm>> -> memref<1x64xf32, #tpu.memory_space<hbm>>
      tpu.enqueue_dma source(%dma_start3A_461 : memref<1x64xf32, #tpu.memory_space<hbm>>) target(%dma_start3A_459 : memref<1x64xf32, #tpu.memory_space<vmem>>) target_semaphore(%arg11 : memref<!tpu.dma_semaphore, #tpu.memory_space<semaphore_mem>>)
      %slice3A_462 = vector.extract_strided_slice %get3A_58 {offsets = [14], sizes = [1], strides = [1]} : vector<16xi32> to vector<1xi32>
      %squeeze3A_463 = vector.extract %slice3A_462[0] : i32 from vector<1xi32>
      %mul3A_464 = arith.constant 16 : i32
      %mul3A_465 = arith.muli %scan3A_45, %mul3A_464 : i32
      %add3A_466 = arith.constant 14 : i32
      %add3A_467 = arith.addi %mul3A_465, %add3A_466 : i32
      %dma_start3A_468 = arith.constant 0 : i32
      %dma_start3A_469 = tpu.memref_slice %arg10[%add3A_467, %dma_start3A_468] : memref<256x64xf32, #tpu.memory_space<vmem>> -> memref<1x64xf32, #tpu.memory_space<vmem>>
      %dma_start3A_470 = arith.constant 0 : i32
      %dma_start3A_471 = tpu.memref_slice %arg2[%squeeze3A_463, %dma_start3A_470] : memref<1000000x64xf32, #tpu.memory_space<hbm>> -> memref<1x64xf32, #tpu.memory_space<hbm>>
      %dma_start3A_472 = arith.constant 0 : i32
      %dma_start3A_473 = tpu.memref_slice %arg10[%add3A_467, %dma_start3A_472] : memref<256x64xf32, #tpu.memory_space<vmem>> -> memref<1x64xf32, #tpu.memory_space<vmem>>
      %dma_start3A_474 = arith.constant 0 : i32
      %dma_start3A_475 = tpu.memref_slice %arg2[%squeeze3A_463, %dma_start3A_474] : memref<1000000x64xf32, #tpu.memory_space<hbm>> -> memref<1x64xf32, #tpu.memory_space<hbm>>
      tpu.enqueue_dma source(%dma_start3A_475 : memref<1x64xf32, #tpu.memory_space<hbm>>) target(%dma_start3A_473 : memref<1x64xf32, #tpu.memory_space<vmem>>) target_semaphore(%arg11 : memref<!tpu.dma_semaphore, #tpu.memory_space<semaphore_mem>>)
      %slice3A_476 = vector.extract_strided_slice %get3A_51 {offsets = [15], sizes = [1], strides = [1]} : vector<16xi32> to vector<1xi32>
      %squeeze3A_477 = vector.extract %slice3A_476[0] : i32 from vector<1xi32>
      %mul3A_478 = arith.constant 16 : i32
      %mul3A_479 = arith.muli %scan3A_45, %mul3A_478 : i32
      %add3A_480 = arith.constant 15 : i32
      %add3A_481 = arith.addi %mul3A_479, %add3A_480 : i32
      %dma_start3A_482 = arith.constant 0 : i32
      %dma_start3A_483 = tpu.memref_slice %arg9[%add3A_481, %dma_start3A_482] : memref<256x64xf32, #tpu.memory_space<vmem>> -> memref<1x64xf32, #tpu.memory_space<vmem>>
      %dma_start3A_484 = arith.constant 0 : i32
      %dma_start3A_485 = tpu.memref_slice %arg2[%squeeze3A_477, %dma_start3A_484] : memref<1000000x64xf32, #tpu.memory_space<hbm>> -> memref<1x64xf32, #tpu.memory_space<hbm>>
      %dma_start3A_486 = arith.constant 0 : i32
      %dma_start3A_487 = tpu.memref_slice %arg9[%add3A_481, %dma_start3A_486] : memref<256x64xf32, #tpu.memory_space<vmem>> -> memref<1x64xf32, #tpu.memory_space<vmem>>
      %dma_start3A_488 = arith.constant 0 : i32
      %dma_start3A_489 = tpu.memref_slice %arg2[%squeeze3A_477, %dma_start3A_488] : memref<1000000x64xf32, #tpu.memory_space<hbm>> -> memref<1x64xf32, #tpu.memory_space<hbm>>
      tpu.enqueue_dma source(%dma_start3A_489 : memref<1x64xf32, #tpu.memory_space<hbm>>) target(%dma_start3A_487 : memref<1x64xf32, #tpu.memory_space<vmem>>) target_semaphore(%arg11 : memref<!tpu.dma_semaphore, #tpu.memory_space<semaphore_mem>>)
      %slice3A_490 = vector.extract_strided_slice %get3A_58 {offsets = [15], sizes = [1], strides = [1]} : vector<16xi32> to vector<1xi32>
      %squeeze3A_491 = vector.extract %slice3A_490[0] : i32 from vector<1xi32>
      %mul3A_492 = arith.constant 16 : i32
      %mul3A_493 = arith.muli %scan3A_45, %mul3A_492 : i32
      %add3A_494 = arith.constant 15 : i32
      %add3A_495 = arith.addi %mul3A_493, %add3A_494 : i32
      %dma_start3A_496 = arith.constant 0 : i32
      %dma_start3A_497 = tpu.memref_slice %arg10[%add3A_495, %dma_start3A_496] : memref<256x64xf32, #tpu.memory_space<vmem>> -> memref<1x64xf32, #tpu.memory_space<vmem>>
      %dma_start3A_498 = arith.constant 0 : i32
      %dma_start3A_499 = tpu.memref_slice %arg2[%squeeze3A_491, %dma_start3A_498] : memref<1000000x64xf32, #tpu.memory_space<hbm>> -> memref<1x64xf32, #tpu.memory_space<hbm>>
      %dma_start3A_500 = arith.constant 0 : i32
      %dma_start3A_501 = tpu.memref_slice %arg10[%add3A_495, %dma_start3A_500] : memref<256x64xf32, #tpu.memory_space<vmem>> -> memref<1x64xf32, #tpu.memory_space<vmem>>
      %dma_start3A_502 = arith.constant 0 : i32
      %dma_start3A_503 = tpu.memref_slice %arg2[%squeeze3A_491, %dma_start3A_502] : memref<1000000x64xf32, #tpu.memory_space<hbm>> -> memref<1x64xf32, #tpu.memory_space<hbm>>
      tpu.enqueue_dma source(%dma_start3A_503 : memref<1x64xf32, #tpu.memory_space<hbm>>) target(%dma_start3A_501 : memref<1x64xf32, #tpu.memory_space<vmem>>) target_semaphore(%arg11 : memref<!tpu.dma_semaphore, #tpu.memory_space<semaphore_mem>>)
    }
    %scan3A_28 = arith.constant 16 : i32
    %dma_wait3A_29 = arith.constant 0 : i32
    %dma_wait3A_30 = arith.constant 0 : i32
    %dma_wait3A_31 = tpu.memref_slice %arg2[%dma_wait3A_29, %dma_wait3A_30] : memref<1000000x64xf32, #tpu.memory_space<hbm>> -> memref<256x64xf32, #tpu.memory_space<hbm>>
    %dma_wait3A_32 = arith.constant 0 : i32
    %dma_wait3A_33 = arith.constant 0 : i32
    %dma_wait3A_34 = tpu.memref_slice %arg2[%dma_wait3A_32, %dma_wait3A_33] : memref<1000000x64xf32, #tpu.memory_space<hbm>> -> memref<256x64xf32, #tpu.memory_space<hbm>>
    tpu.wait_dma2 semaphore(%arg11 : memref<!tpu.dma_semaphore, #tpu.memory_space<semaphore_mem>>) src(%dma_wait3A_34 : memref<256x64xf32, #tpu.memory_space<hbm>>) dst(%arg9 : memref<256x64xf32, #tpu.memory_space<vmem>>)
    %dma_wait3A_35 = arith.constant 0 : i32
    %dma_wait3A_36 = arith.constant 0 : i32
    %dma_wait3A_37 = tpu.memref_slice %arg2[%dma_wait3A_35, %dma_wait3A_36] : memref<1000000x64xf32, #tpu.memory_space<hbm>> -> memref<256x64xf32, #tpu.memory_space<hbm>>
    %dma_wait3A_38 = arith.constant 0 : i32
    %dma_wait3A_39 = arith.constant 0 : i32
    %dma_wait3A_40 = tpu.memref_slice %arg2[%dma_wait3A_38, %dma_wait3A_39] : memref<1000000x64xf32, #tpu.memory_space<hbm>> -> memref<256x64xf32, #tpu.memory_space<hbm>>
    tpu.wait_dma2 semaphore(%arg11 : memref<!tpu.dma_semaphore, #tpu.memory_space<semaphore_mem>>) src(%dma_wait3A_40 : memref<256x64xf32, #tpu.memory_space<hbm>>) dst(%arg10 : memref<256x64xf32, #tpu.memory_space<vmem>>)
    %add3A_41 = arith.constant 256 : i32
    %add3A_42 = arith.addi %mul3A_2, %add3A_41 : i32
    "tpu.region"() ({
      %run_scoped3A = tpu.sem_alloc : memref<!tpu.dma_semaphore, #tpu.memory_space<semaphore_mem>>
      %dma_start3A = arith.constant 0 : i32
      %dma_start3A_45 = tpu.memref_slice %arg5[%add3A_42, %dma_start3A] : memref<16384x64xf32, #tpu.memory_space<hbm>> -> memref<256x64xf32, #tpu.memory_space<hbm>>
      %dma_start3A_46 = arith.constant 0 : i32
      %dma_start3A_47 = tpu.memref_slice %arg5[%add3A_42, %dma_start3A_46] : memref<16384x64xf32, #tpu.memory_space<hbm>> -> memref<256x64xf32, #tpu.memory_space<hbm>>
      tpu.enqueue_dma source(%arg9 : memref<256x64xf32, #tpu.memory_space<vmem>>) target(%dma_start3A_47 : memref<256x64xf32, #tpu.memory_space<hbm>>) target_semaphore(%run_scoped3A : memref<!tpu.dma_semaphore, #tpu.memory_space<semaphore_mem>>)
      %dma_wait3A_48 = arith.constant 0 : i32
      %dma_wait3A_49 = tpu.memref_slice %arg5[%add3A_42, %dma_wait3A_48] : memref<16384x64xf32, #tpu.memory_space<hbm>> -> memref<256x64xf32, #tpu.memory_space<hbm>>
      %dma_wait3A_50 = arith.constant 0 : i32
      %dma_wait3A_51 = tpu.memref_slice %arg5[%add3A_42, %dma_wait3A_50] : memref<16384x64xf32, #tpu.memory_space<hbm>> -> memref<256x64xf32, #tpu.memory_space<hbm>>
      tpu.wait_dma2 semaphore(%run_scoped3A : memref<!tpu.dma_semaphore, #tpu.memory_space<semaphore_mem>>) src(%arg9 : memref<256x64xf32, #tpu.memory_space<vmem>>) dst(%dma_wait3A_51 : memref<256x64xf32, #tpu.memory_space<hbm>>)
      tpu.yield
    }) : () -> ()
    %add3A_43 = arith.constant 256 : i32
    %add3A_44 = arith.addi %mul3A_2, %add3A_43 : i32
    "tpu.region"() ({
      %run_scoped3A = tpu.sem_alloc : memref<!tpu.dma_semaphore, #tpu.memory_space<semaphore_mem>>
      %dma_start3A = arith.constant 0 : i32
      %dma_start3A_45 = tpu.memref_slice %arg6[%add3A_44, %dma_start3A] : memref<16384x64xf32, #tpu.memory_space<hbm>> -> memref<256x64xf32, #tpu.memory_space<hbm>>
      %dma_start3A_46 = arith.constant 0 : i32
      %dma_start3A_47 = tpu.memref_slice %arg6[%add3A_44, %dma_start3A_46] : memref<16384x64xf32, #tpu.memory_space<hbm>> -> memref<256x64xf32, #tpu.memory_space<hbm>>
      tpu.enqueue_dma source(%arg10 : memref<256x64xf32, #tpu.memory_space<vmem>>) target(%dma_start3A_47 : memref<256x64xf32, #tpu.memory_space<hbm>>) target_semaphore(%run_scoped3A : memref<!tpu.dma_semaphore, #tpu.memory_space<semaphore_mem>>)
      %dma_wait3A_48 = arith.constant 0 : i32
      %dma_wait3A_49 = tpu.memref_slice %arg6[%add3A_44, %dma_wait3A_48] : memref<16384x64xf32, #tpu.memory_space<hbm>> -> memref<256x64xf32, #tpu.memory_space<hbm>>
      %dma_wait3A_50 = arith.constant 0 : i32
      %dma_wait3A_51 = tpu.memref_slice %arg6[%add3A_44, %dma_wait3A_50] : memref<16384x64xf32, #tpu.memory_space<hbm>> -> memref<256x64xf32, #tpu.memory_space<hbm>>
      tpu.wait_dma2 semaphore(%run_scoped3A : memref<!tpu.dma_semaphore, #tpu.memory_space<semaphore_mem>>) src(%arg10 : memref<256x64xf32, #tpu.memory_space<vmem>>) dst(%dma_wait3A_51 : memref<256x64xf32, #tpu.memory_space<hbm>>)
      tpu.yield
    }) : () -> ()
    return
  }
}

module attributes {stable_mosaic.version = 14 : i64} {
  func.func @_mlp_body(%arg0: i32, %arg1: memref<2048x64xf32, #tpu.memory_space<vmem>>, %arg2: memref<2048x64xf32, #tpu.memory_space<vmem>>, %arg3: memref<128x64xf32, #tpu.memory_space<vmem>>, %arg4: memref<1x64xf32, #tpu.memory_space<vmem>>, %arg5: memref<64x5xf32, #tpu.memory_space<vmem>>, %arg6: memref<1x5xf32, #tpu.memory_space<vmem>>, %arg7: memref<2048x5xf32, #tpu.memory_space<vmem>>) attributes {dimension_semantics = [#tpu.dimension_semantics<arbitrary>], iteration_bounds = array<i64: 8>, scalar_prefetch = 0 : i64, scratch_operands = 0 : i64, tpu.core_type = #tpu.core_type<tc>, window_params = [{transform_indices = @transform_0, window_bounds = array<i64: 2048, 64>}, {transform_indices = @transform_1, window_bounds = array<i64: 2048, 64>}, {pipeline_mode = #tpu.pipeline_mode<synchronous>, transform_indices = @transform_2, window_bounds = array<i64: 128, 64>}, {pipeline_mode = #tpu.pipeline_mode<synchronous>, transform_indices = @transform_3, window_bounds = array<i64: 1, 64>}, {pipeline_mode = #tpu.pipeline_mode<synchronous>, transform_indices = @transform_4, window_bounds = array<i64: 64, 5>}, {pipeline_mode = #tpu.pipeline_mode<synchronous>, transform_indices = @transform_5, window_bounds = array<i64: 1, 5>}, {transform_indices = @transform_6, window_bounds = array<i64: 2048, 5>}]} {
    %get3A = arith.constant 0 : index
    %get3A_0 = arith.constant 0 : index
    %get3A_1 = vector.load %arg1[%get3A, %get3A_0] : memref<2048x64xf32, #tpu.memory_space<vmem>>, vector<2048x64xf32>
    %get3A_2 = arith.constant 0 : index
    %get3A_3 = arith.constant 0 : index
    %get3A_4 = vector.load %arg3[%get3A_2, %get3A_3] : memref<128x64xf32, #tpu.memory_space<vmem>>, vector<64x64xf32>
    %dot_general3A = arith.constant dense<0.000000e+00> : vector<2048x64xf32>
    %dot_general3A_5 = tpu.matmul %get3A_1, %get3A_4, %dot_general3A {dimension_numbers = #tpu.dot_dimension_numbers<[1], [0], [0], [1], [0, 0, 1, 1], [], []>, transpose_lhs_hint = false} : vector<2048x64xf32>, vector<64x64xf32>, vector<2048x64xf32> -> vector<2048x64xf32>
    %get3A_6 = arith.constant 0 : index
    %get3A_7 = arith.constant 0 : index
    %get3A_8 = vector.load %arg2[%get3A_6, %get3A_7] : memref<2048x64xf32, #tpu.memory_space<vmem>>, vector<2048x64xf32>
    %get3A_9 = arith.constant 64 : index
    %get3A_10 = arith.constant 0 : index
    %get3A_11 = vector.load %arg3[%get3A_9, %get3A_10] : memref<128x64xf32, #tpu.memory_space<vmem>>, vector<64x64xf32>
    %dot_general3A_12 = arith.constant dense<0.000000e+00> : vector<2048x64xf32>
    %dot_general3A_13 = tpu.matmul %get3A_8, %get3A_11, %dot_general3A_12 {dimension_numbers = #tpu.dot_dimension_numbers<[1], [0], [0], [1], [0, 0, 1, 1], [], []>, transpose_lhs_hint = false} : vector<2048x64xf32>, vector<64x64xf32>, vector<2048x64xf32> -> vector<2048x64xf32>
    %add3A = arith.addf %dot_general3A_5, %dot_general3A_13 : vector<2048x64xf32>
    %get3A_14 = arith.constant 0 : index
    %get3A_15 = arith.constant 0 : index
    %get3A_16 = vector.load %arg4[%get3A_14, %get3A_15] : memref<1x64xf32, #tpu.memory_space<vmem>>, vector<1x64xf32>
    %add3A_17 = vector.broadcast %get3A_16 : vector<1x64xf32> to vector<2048x64xf32>
    %add3A_18 = arith.addf %add3A, %add3A_17 : vector<2048x64xf32>
    %tanh3A = math.tanh %add3A_18 : vector<2048x64xf32>
    %get3A_19 = arith.constant 0 : index
    %get3A_20 = arith.constant 0 : index
    %get3A_21 = vector.load %arg5[%get3A_19, %get3A_20] : memref<64x5xf32, #tpu.memory_space<vmem>>, vector<64x5xf32>
    %dot_general3A_22 = arith.constant dense<0.000000e+00> : vector<2048x5xf32>
    %dot_general3A_23 = tpu.matmul %tanh3A, %get3A_21, %dot_general3A_22 {dimension_numbers = #tpu.dot_dimension_numbers<[1], [0], [0], [1], [0, 0, 1, 1], [], []>, transpose_lhs_hint = false} : vector<2048x64xf32>, vector<64x5xf32>, vector<2048x5xf32> -> vector<2048x5xf32>
    %get3A_24 = arith.constant 0 : index
    %get3A_25 = arith.constant 0 : index
    %get3A_26 = vector.load %arg6[%get3A_24, %get3A_25] : memref<1x5xf32, #tpu.memory_space<vmem>>, vector<1x5xf32>
    %add3A_27 = vector.broadcast %get3A_26 : vector<1x5xf32> to vector<2048x5xf32>
    %add3A_28 = arith.addf %dot_general3A_23, %add3A_27 : vector<2048x5xf32>
    %swap3A = arith.constant 0 : index
    %swap3A_29 = arith.constant 0 : index
    %swap3A_30 = vector.load %arg7[%swap3A, %swap3A_29] : memref<2048x5xf32, #tpu.memory_space<vmem>>, vector<2048x5xf32>
    tpu.vector_store %arg7[%swap3A, %swap3A_29], %add3A_28 {strides = array<i32>} : memref<2048x5xf32, #tpu.memory_space<vmem>>, vector<2048x5xf32>,
    return
  }
  func.func @transform_0(%arg0: i32) -> (i32, i32) {
    %c0_i32 = arith.constant 0 : i32
    %c0_i32_0 = arith.constant 0 : i32
    return %arg0, %c0_i32 : i32, i32
  }
  func.func @transform_1(%arg0: i32) -> (i32, i32) {
    %c0_i32 = arith.constant 0 : i32
    %c0_i32_0 = arith.constant 0 : i32
    return %arg0, %c0_i32 : i32, i32
  }
  func.func @transform_2(%arg0: i32) -> (i32, i32) {
    %c0_i32 = arith.constant 0 : i32
    %c0_i32_0 = arith.constant 0 : i32
    %c0_i32_1 = arith.constant 0 : i32
    return %c0_i32, %c0_i32_0 : i32, i32
  }
  func.func @transform_3(%arg0: i32) -> (i32, i32) {
    %c0_i32 = arith.constant 0 : i32
    %c0_i32_0 = arith.constant 0 : i32
    %c0_i32_1 = arith.constant 0 : i32
    return %c0_i32, %c0_i32_0 : i32, i32
  }
  func.func @transform_4(%arg0: i32) -> (i32, i32) {
    %c0_i32 = arith.constant 0 : i32
    %c0_i32_0 = arith.constant 0 : i32
    %c0_i32_1 = arith.constant 0 : i32
    return %c0_i32, %c0_i32_0 : i32, i32
  }
  func.func @transform_5(%arg0: i32) -> (i32, i32) {
    %c0_i32 = arith.constant 0 : i32
    %c0_i32_0 = arith.constant 0 : i32
    %c0_i32_1 = arith.constant 0 : i32
    return %c0_i32, %c0_i32_0 : i32, i32
  }
  func.func @transform_6(%arg0: i32) -> (i32, i32) {
    %c0_i32 = arith.constant 0 : i32
    %c0_i32_0 = arith.constant 0 : i32
    return %arg0, %c0_i32 : i32, i32
  }
}

</mosaic_0001>

<sc_bundles>
// kernel: kernel.4.cloned.1.call-start
scs
__scs_entry_jumppad:
0x0: {  	(pc) =	sbr.rel $0x88, $3  }
0x1: {  	(tag) =	ssettag $0x0;
	lr =	simm.s32 $0x1  }
0x2: {  	[smem:$0x3F9B] =	sst lr;
	_ =	strace $0xD0000000  }
0x3: {  	_ = 	snop  }
0x4: {  	_ = 	snop  }
0x5: {  	_ = 	snop  }
0x6: {  	_ = 	snop  }
0x7: {  	_ = 	snop  }
__scs_overlays_trampoline_lowered:
0x8: {  	[smem:$0x3FAA] =	sst s0  }
0x9: {  	[smem:$0x3FAB] =	sst s1  }
0xa: {  	[smem:$0x3FAC] =	sst s2  }
0xb: {  	[smem:$0x3FAD] =	sst s3  }
0xc: {  	[smem:$0x3FAE] =	sst s4  }
0xd: {  	[smem:$0x3FAF] =	sst s5  }
0xe: {  	[smem:$0x3FB0] =	sst s6  }
0xf: {  	[smem:$0x3FB1] =	sst s7  }
0x10: {  	[smem:$0x3FB2] =	sst s8  }
0x11: {  	[smem:$0x3FB3] =	sst s9;
	s0 =	simm.s32 @!p0 $0x0  }
0x12: {  	s1 =	sld [smem:$0x3F99];
	s0 =	simm.s32 @p0 $0x1  }
0x13: {  	[smem:$0x3FB4] =	sst s0;
	s0 =	simm.s32 @!p1 $0x0  }
0x14: {  	s2 =	sld [smem:$0x3F98];
	s0 =	simm.s32 @p1 $0x1  }
0x15: {  	[smem:$0x3FB5] =	sst s0;
	s0 =	simm.s32 @!p2 $0x0  }
0x16: {  	s3 =	sld [smem:$0x3FDB];
	s0 =	simm.s32 @p2 $0x1  }
0x17: {  	s4 =	simm.s32 $0x1BF5;
	[smem:$0x3FB7] =	sst s0  }
0x18: {  	s0 =	sld [smem:$0x3F9A];
	_ =	swait.ge [sflag:s4], $0x0  }
0x19: {  	s7 =	sld [smem:$0x3F9B]  }
0x1a: {  	s8 =	sadd.s32 $0xFFFFE003, lr  }
0x1b: {  	s9 =	sadd.s32 $0xFFFFFEF7, lr;
	s5 =	simm.s32 $0xFFFFFFFF;
	p2 =	slt.u32 s8, $0xFFFFF086  }
0x1c: {  	p1 =	slt.u32 s9, $0xF7A;
	s5 =	simm.s32 @!p2 $0x0  }
0x1d: {  	s5 =	simm.s32 @p1 $0x1;
	p0 =	seq.s32 s7, s2  }
0x1e: {  	s7 =	smul.u32 @!p0 $0xF7A, s2;
	p2 =	seq.s32 @!p0 s5, $0x0  }
0x1f: {  	s9 =	smul.u32 $0xF7A, s1;
	s8 =	simm.s32 @!p0 $0x1BF5;
	p2 =	por !p2, p0  }
0x20: {  	[sflag:s8] =	ssyncset.s32 @!p0 $0xFFFFF086;
	s6 =	sadd.s32 @!p0 s3, s7;
	s7 =	simm.s32 @!p0 $0x108  }
0x21: {  	s3 =	sadd.s32 s3, s9;
	s6 =	sadd.s32 @!p0 $0x88, s6;
	s7 =	simm.s32 @p2 $0x1082  }
0x22: {  	[simem:s7], [sflag:s8] =	dma.local @!p0 [hbm:s6], $0xF7A  }
0x23: {  	s9 =	sor.u32 $0xD0000000, s2;
	s6 =	simm.s32 $0x108;
	_ =	swait.ge @!p0 [sflag:s8], $0x0  }
0x24: {  	s3 =	sadd.s32 $0x88, s3;
	s6 =	simm.s32 @!p1 $0x1082;
	[sflag:s4] =	ssyncset.s32 $0xFFFFF086  }
0x25: {  	[simem:s6], [sflag:s4] =	dma.local [hbm:s3], $0xF7A  }
0x26: {  	[smem:$0x3F9B] =	sst s1;
	(tag) =	ssettag s2;
	_ =	strace s9  }
0x27: {  	s1 =	sld [smem:$0x3FAB]  }
0x28: {  	s2 =	sld [smem:$0x3FAC]  }
0x29: {  	s4 =	sld [smem:$0x3FAE]  }
0x2a: {  	p0 =	seq.s32 s5, $0x0;
	s5 =	sld [smem:$0x3FAF]  }
0x2b: {  	s6 =	sld [smem:$0x3FB0]  }
0x2c: {  	s7 =	sld [smem:$0x3FB1]  }
0x2d: {  	s3 =	simm.s32 $0x108;
	s8 =	sld [smem:$0x3FB2]  }
0x2e: {  	s3 =	simm.s32 @!p0 $0x1082;
	s9 =	sld [smem:$0x3FB3]  }
0x2f: {  	lr =	sadd.s32 s0, s3;
	s0 =	sld [smem:$0x3FAA]  }
0x30: {  	s3 =	sld [smem:$0x3FAD]  }
0x31: {  	[smem:$0x3FB6] =	sst s10  }
0x32: {  	s10 =	sld [smem:$0x3FB4];
	_ =	sdelay $0x3  }
0x33: {  	p0 =	seq.s32 s10, $0x1;
	s10 =	sld [smem:$0x3FB6];
	_ =	sdelay $0x3  }
0x34: {  	[smem:$0x3FB6] =	sst s10  }
0x35: {  	s10 =	sld [smem:$0x3FB5];
	_ =	sdelay $0x3  }
0x36: {  	p1 =	seq.s32 s10, $0x1;
	s10 =	sld [smem:$0x3FB6];
	_ =	sdelay $0x3  }
0x37: {  	[smem:$0x3FB6] =	sst s10  }
0x38: {  	s10 =	sld [smem:$0x3FB7]  }
0x39: {  	_ = 	snop;
	(pc) =	sbr.ind lr, $3  }
0x3a: {  	_ = 	snop  }
0x3b: {  	_ = 	snop  }
0x3c: {  	p2 =	seq.s32 s10, $0x1;
	s10 =	sld [smem:$0x3FB6]  }
0x3d: {  	_ =	shalt  }
0x3e: {  	_ =	shalt  }
0x3f: {  	_ =	shalt  }
0x40: {  	_ =	shalt  }
0x41: {  	_ =	shalt  }
0x42: {  	_ =	shalt  }
0x43: {  	_ =	shalt  }
0x44: {  	_ =	shalt  }
0x45: {  	_ =	shalt  }
0x46: {  	_ =	shalt  }
0x47: {  	_ =	shalt  }
0x48: {  	_ =	shalt  }
0x49: {  	_ =	shalt  }
0x4a: {  	_ =	shalt  }
0x4b: {  	_ =	shalt  }
0x4c: {  	_ =	shalt  }
0x4d: {  	_ =	shalt  }
0x4e: {  	_ =	shalt  }
0x4f: {  	_ =	shalt  }
0x50: {  	_ =	shalt  }
0x51: {  	_ =	shalt  }
0x52: {  	_ =	shalt  }
0x53: {  	_ =	shalt  }
0x54: {  	_ =	shalt  }
0x55: {  	_ =	shalt  }
0x56: {  	_ =	shalt  }
0x57: {  	_ =	shalt  }
0x58: {  	_ =	shalt  }
0x59: {  	_ =	shalt  }
0x5a: {  	_ =	shalt  }
0x5b: {  	_ =	shalt  }
0x5c: {  	_ =	shalt  }
0x5d: {  	_ =	shalt  }
0x5e: {  	_ =	shalt  }
0x5f: {  	_ =	shalt  }
0x60: {  	_ =	shalt  }
0x61: {  	_ =	shalt  }
0x62: {  	_ =	shalt  }
0x63: {  	_ =	shalt  }
0x64: {  	_ =	shalt  }
0x65: {  	_ =	shalt  }
0x66: {  	_ =	shalt  }
0x67: {  	_ =	shalt  }
0x68: {  	_ =	shalt  }
0x69: {  	_ =	shalt  }
0x6a: {  	_ =	shalt  }
0x6b: {  	_ =	shalt  }
0x6c: {  	_ =	shalt  }
0x6d: {  	_ =	shalt  }
0x6e: {  	_ =	shalt  }
0x6f: {  	_ =	shalt  }
0x70: {  	_ =	shalt  }
0x71: {  	_ =	shalt  }
0x72: {  	_ =	shalt  }
0x73: {  	_ =	shalt  }
0x74: {  	_ =	shalt  }
0x75: {  	_ =	shalt  }
0x76: {  	_ =	shalt  }
0x77: {  	_ =	shalt  }
0x78: {  	_ =	shalt  }
0x79: {  	_ =	shalt  }
0x7a: {  	_ =	shalt  }
0x7b: {  	_ =	shalt  }
0x7c: {  	_ =	shalt  }
0x7d: {  	_ =	shalt  }
0x7e: {  	_ =	shalt  }
0x7f: {  	_ =	shalt  }
0x80: {  	_ =	shalt  }
0x81: {  	_ =	shalt  }
0x82: {  	_ =	shalt  }
0x83: {  	_ =	shalt  }
0x84: {  	_ =	shalt  }
0x85: {  	_ =	shalt  }
0x86: {  	_ =	shalt  }
0x87: {  	_ =	shalt  }
.Lfunc_end0:
.L_simem_size_0:
called_computation_lowered:
.L_overlay_start_0:
0x88: {  	s2 =	sld [smem:$0x3FD9]  }
0x89: {  	s3 =	sld [smem:$0x3FFE];
	_ =	sdelay $0x1  }
0x8a: {  	s1 =	srdreg.scid  }
0x8b: {  	s0 =	sand.u32 $0x1, s1  }
0x8c: {  	s17 =	sshll.u32 s0, $0xA;
	s2 =	sadd.s32 s3, s2  }
0x8d: {  	s2 =	sadd.s32 s2, s17  }
0x8e: {  	[smem:$0x3FC2] =	sst s2  }
0x8f: {  	_ = 	snop  }
0x90: {  	s2 =	sld [smem:$0x3FD0];
	(tm) =	ssettm $0x1  }
0x91: {  	s18 =	sld [smem:$0x3FFB];
	_ =	sdelay $0x3  }
0x92: {  	_ =	strace s18  }
0x93: {  	s3 =	sld [smem:$0x3FFC];
	_ =	sdelay $0x3  }
0x94: {  	_ =	strace s3  }
0x95: {  	s3 =	sld [smem:$0x3FFD];
	_ =	sdelay $0x3  }
0x96: {  	_ =	strace s3  }
0x97: {  	_ =	strace $0x8FFFFFFF  }
0x98: {  	s19 =	sld [smem:$0x3FDB];
	_ =	sdelay $0x1  }
0x99: {  	s4 =	simm.s32 $_scs_section_size  }
0x9a: {  	s5 =	simm.s32 $_size__tile_overlayer_lowered;
	s6 =	simm.s32 $_tile_overlayer_lowered  }
0x9b: {  	s22 =	simm.s32 $0x1BFF;
	s21 =	sshll.u32 s6, $0x1;
	s3 =	sadd.s32 s4, s19  }
0x9c: {  	s7 =	simm.s32 $0x0;
	s20 =	sshll.u32 s5, $0x1;
	s5 =	sadd.s32 s21, s3  }
0x9d: {  	[timem:s7], [sflag:s22] =	dma.local [hbm:s5], s20  }
0x9e: {  	_ =	swait.ge [sflag:s22], s20  }
0x9f: {  	s4 =	ssub.s32 $0x0, s20;
	[sflag:s22] =	ssyncset.done $0x0  }
0xa0: {  	[sflag:s22] =	ssyncadd.s32 s4;
	_ =	sdelay $0x1  }
0xa1: {  	s23 =	simm.s32 $0x1B8B  }
0xa2: {  	_ =	swait.ge [sflag:s23], $0x1  }
0xa3: {  	[sflag:s23] =	ssyncset.done $0x0  }
0xa4: {  	s25 =	simm.s32 $0x1B8E;
	s24 =	sld [smem:$0x3FFE];
	[sflag:s23] =	ssyncadd.s32 $0xFFFFFFFF  }
0xa5: {  	s26 =	simm.s32 $execute0_lowered;
	[smem:$0x3FD2] =	sst s25  }
0xa6: {  	s5 =	sshll.u32 s26, $0x1;
	_ =	strace $0x80000046;
	[dreg:$0x1] =	wrdreg $0xFFFFFFFF  }
0xa7: {  	s28 =	simm.s32 $_size_execute0_lowered;
	s3 =	sadd.s32 s3, s5;
	[dreg:$0x0] =	wrdreg $0x0  }
0xa8: {  	s5 =	sshll.u32 s28, $0x1;
	[dreg:$0x2] =	wrdreg s3  }
0xa9: {  	[dreg:$0x3] =	wrdreg s5  }
0xaa: {  	[dreg:$0x4] =	wrdreg $0xC0  }
0xab: {  	_ =	task [dreg:s7], $0x5FFFF  }
0xac: {  	[dreg:$0x1] =	wrdreg $0xFFFFFFFF  }
0xad: {  	[dreg:$0x0] =	wrdreg $0x60  }
0xae: {  	[dreg:$0x2] =	wrdreg s24  }
0xaf: {  	[dreg:$0x3] =	wrdreg s2  }
0xb0: {  	[dreg:$0x4] =	wrdreg $0x9  }
0xb1: {  	_ =	task.clear_ibuf [dreg:s7], $0x5FFFF;
	_ =	strace $0x90000046  }
0xb2: {  	s29 =	simm.s32 $0x9;
	_ =	strace $0x80000048  }
0xb3: {  	_ =	swait.ge [sflag:s29], $0x1  }
0xb4: {  	[sflag:s29] =	ssyncadd.s32 $0xFFFFFFFF  }
0xb5: {  	_ =	strace $0x90000048  }
0xb6: {  	_ =	sfence  }
0xb7: {  	s30 =	sld [smem:$0x0];
	_ =	sdelay $0x2  }
0xb8: {  	s31 =	sshll.u32 s1, $0xD;
	s1 =	sshrl.u32 s1, $0x2  }
0xb9: {  	s3 =	sand.u32 $0x4000, s31;
	s1 =	sadd.s32 s1, s30  }
0xba: {  	s0 =	sor.u32 s3, s0;
	s1 =	sshll.u32 s1, $0x11  }
0xbb: {  	s0 =	sor.u32 s1, s0  }
0xbc: {  	s0 =	sadd.s32 $0x8F2B, s0  }
0xbd: {  	[sflag:s0] =	ssyncadd.remote.s32 $0x1  }
0xbe: {  	_ =	sfence.sel $0xFFFF  }
0xbf: {  	[dreg:$0x0] =	wrdreg $0xFFFFFFFF;
	(pc) =	sbr.abs _section_cstart, $3  }
0xc0: {  	[dreg:$0x1] =	wrdreg $0xFFFFFFFF  }
0xc1: {  	_ =	task.clear_ibuf [dreg:s7], $0x2FFFF;
	_ =	strace $0x9FFFFFFF  }
0xc2: {  	(tm) =	ssettm $0x7FFFFFFF  }
0xc3: {  	_ =	shalt  }
tec
execute0_lowered:
.L_overlay_start_1:
0x0: {  	(tag) =	ssettag $0x1  }
0x1: {  	s0 =	rddreg [dreg:$0x0]  }
0x2: {  	s1 =	rddreg [dreg:$0x1];
	s2 =	srdreg.scid  }
0x3: {  	s3 =	stileid.u32;
	s4 =	sand.u32 $0x1, s2;
	s2 =	simm.s32 $0x0  }
0x4: {  	s3 =	sshll.u32 s3, $0xA;
	s8 =	sadd.s32 $0xF44000, s0;
	s5 =	sshll.u32 s4, $0x9  }
0x5: {  	[smem:$0x7FF] =	sst s2;
	s4 =	ssub.s32 $0x2, s4;
	s5 =	sor.u32 s5, s3  }
0x6: {  	_ =	strace $0x80000047;
	s3 =	sadd.s32 $0x1C00, s0;
	s6 =	sshrl.u32 s5, $0x3  }
0x7: {  	s9 =	sshrl.u32 s4, $0x1;
	s5 =	sshll.u32 s5, $0x4;
	s1 =	sadd.s32 s1, s6  }
0x8: {  	s4 =	ssub.s32 s4, s9;
	s28 =	sadd.s32 s8, s5;
	[dreg:$0x14] =	wrdreg s1  }
0x9: {  	s7 =	sadd.s32 s6, s0;
	s31 =	smax.u32 s4, $0x1;
	[dreg:$0x15] =	wrdreg s28  }
0xa: {  	s0 =	sadd.s32 $0xF84000, s0;
	s7 =	sadd.s32 $0x1400, s7;
	[dreg:$0x19] =	wrdreg s31  }
0xb: {  	s29 =	sor.u32 $0x1000, s5;
	s5 =	sadd.s32 s0, s5;
	[dreg:$0x13] =	wrdreg s7  }
0xc: {  	s30 =	sadd.s32 s8, s29;
	[dreg:$0x16] =	wrdreg s5  }
0xd: {  	s0 =	sadd.s32 s0, s29;
	[dreg:$0x17] =	wrdreg s30  }
0xe: {  	s4 =	simm.s32 $0x2;
	s1 =	simm.s32 $0x0;
	[dreg:$0x18] =	wrdreg s0  }
.LBB2_1:
0xf: {  	[dreg:$0x1a] =	wrdreg s1  }
0x10: {  	s0 =	rddreg [dreg:$0x13]  }
0x11: {  	[tilespmem:s2], [sflag:$0x2] =	stream.linear.gather [hbm4b:s0+s2], $0x200, $0x38;
	[tilespmem:$0x10400] =	vst v63  }
0x12: {  	_ =	swait.ge [sflag:s4], $0x200  }
0x13: {  	[sflag:s4] =	ssyncset.done $0x0  }
0x14: {  	s24 =	simm.s32 $0x200;
	s25 =	rddreg [dreg:$0x14];
	[sflag:s4] =	ssyncadd.s32 $0xFFFFFE00  }
0x15: {  	[tilespmem:s24], [sflag:$0x2] =	stream.linear.gather [hbm4b:s25+s2], $0x200, $0x38;
	[tilespmem:$0x10400] =	vst v63  }
0x16: {  	_ =	swait.ge [sflag:s4], $0x200  }
0x17: {  	[sflag:s4] =	ssyncset.done $0x0  }
0x18: {  	[sflag:s4] =	ssyncadd.s32 $0xFFFFFE00  }
0x19: {  	v0 =	vld [tilespmem:s2+$0x0]  }
0x1a: {  	v2 =	vld [tilespmem:s24+$0x0];
	_ =	sdelay $0x3  }
0x1b: {  	v1 =	vshll.u32 v0, $0x4  }
0x1c: {  	v63 =	vshll.u32 v2, $0x4;
	(v2sf) =	vpush v1, $0x0  }
0x1d: {  	(v2sf) =	vpush v63, $0x0  }
0x1e: {  	(v2sf) =	vpush v1, $0x1;
	_ =	sdelay $0x1  }
0x1f: {  	(v2sf) =	vpush v63, $0x1;
	_ =	sdelay $0x2  }
0x20: {  	(v2sf) =	vpush v1, $0x2;
	_ =	sdelay $0x1  }
0x21: {  	(v2sf) =	vpush v63, $0x2;
	_ =	sdelay $0x1  }
0x22: {  	s17 =	simm.s32 $0x2000;
	(v2sf) =	vpush v1, $0x3  }
0x23: {  	s16 =	simm.s32 $0x0;
	s5 =	simm.s32 $0x8400;
	s1 =	simm.s32 $0x880  }
0x24: {  	s6 =	simm.s32 $0x400;
	s8 =	simm.s32 $0x600;
	s9 =	simm.s32 $0x580  }
0x25: {  	s29 =	simm.s32 $0x480;
	s13 =	simm.s32 $0x500;
	s18 =	simm.s32 $0x8500  }
0x26: {  	s23 =	simm.s32 $0x8600;
	s0 =	simm.s32 $0x8900;
	s7 =	spop (v2sf);
	(v2sf) =	vpush v63, $0x3  }
0x27: {  	s4 =	simm.s32 $0x680;
	s7 =	sand.u32 $0x1FFFFFF0, s7;
	s10 =	spop (v2sf)  }
0x28: {  	(v2sf) =	vpush v1, $0x4;
	s7 =	sadd.s32 s3, s7;
	s26 =	sand.u32 $0x1FFFFFF0, s10;
	s28 =	spop (v2sf)  }
0x29: {  	(v2sf) =	vpush v63, $0x4;
	[tilespmem:s6], [sflag:$0x1] =	stream.linear.gather [hbm4b:s7+s2], $0x80, $0x38;
	[tilespmem:$0x10400] =	vst v63  }
0x2a: {  	s6 =	simm.s32 $0x8580;
	s10 =	sand.u32 $0x1FFFFFF0, s28;
	s11 =	spop (v2sf)  }
0x2b: {  	s7 =	sadd.s32 s3, s26;
	(v2sf) =	vpush v1, $0x5;
	s30 =	sadd.s32 s3, s10;
	s31 =	sand.u32 $0x1FFFFFF0, s11  }
0x2c: {  	(v2sf) =	vpush v63, $0x5;
	[tilespmem:s5], [sflag:$0x1] =	stream.linear.gather [hbm4b:s7+s2], $0x80, $0x38;
	[tilespmem:$0x10400] =	vst v63  }
0x2d: {  	s11 =	simm.s32 $0x8480;
	s12 =	spop (v2sf);
	s10 =	sadd.s32 s3, s31  }
0x2e: {  	[tilespmem:s29], [sflag:$0x1] =	stream.linear.gather [hbm4b:s30+s2], $0x80, $0x38;
	[tilespmem:$0x10400] =	vst v63  }
0x2f: {  	s7 =	sand.u32 $0x1FFFFFF0, s12;
	s14 =	spop (v2sf);
	s12 =	simm.s32 $0xA80  }
0x30: {  	(v2sf) =	vpush v1, $0x6;
	[tilespmem:s11], [sflag:$0x1] =	stream.linear.gather [hbm4b:s10+s2], $0x80, $0x38;
	[tilespmem:$0x10400] =	vst v63  }
0x31: {  	s7 =	sadd.s32 s3, s7;
	s15 =	spop (v2sf);
	s10 =	sand.u32 $0x1FFFFFF0, s14  }
0x32: {  	(v2sf) =	vpush v63, $0x6;
	[tilespmem:s13], [sflag:$0x1] =	stream.linear.gather [hbm4b:s7+s2], $0x80, $0x38;
	[tilespmem:$0x10400] =	vst v63  }
0x33: {  	s31 =	simm.s32 $0x700;
	s20 =	sand.u32 $0x1FFFFFF0, s15;
	s19 =	sadd.s32 s3, s10  }
0x34: {  	[tilespmem:s18], [sflag:$0x1] =	stream.linear.gather [hbm4b:s19+s2], $0x80, $0x38;
	[tilespmem:$0x10400] =	vst v63  }
0x35: {  	s29 =	simm.s32 $0x8680;
	s22 =	sadd.s32 s3, s20;
	s21 =	spop (v2sf)  }
0x36: {  	(v2sf) =	vpush v1, $0x7;
	[tilespmem:s9], [sflag:$0x1] =	stream.linear.gather [hbm4b:s22+s2], $0x80, $0x38;
	[tilespmem:$0x10400] =	vst v63  }
0x37: {  	s20 =	simm.s32 $0x8700;
	s5 =	sand.u32 $0x1FFFFFF0, s21;
	s24 =	spop (v2sf)  }
0x38: {  	(v2sf) =	vpush v63, $0x7;
	s5 =	sadd.s32 s3, s5;
	s9 =	sand.u32 $0x1FFFFFF0, s24;
	s25 =	spop (v2sf)  }
0x39: {  	(v2sf) =	vpush v1, $0x8;
	[tilespmem:s6], [sflag:$0x1] =	stream.linear.gather [hbm4b:s5+s2], $0x80, $0x38;
	[tilespmem:$0x10400] =	vst v63  }
0x3a: {  	s11 =	simm.s32 $0x8A00;
	s26 =	sadd.s32 s3, s9;
	s30 =	spop (v2sf)  }
0x3b: {  	s28 =	sand.u32 $0x1FFFFFF0, s25;
	(v2sf) =	vpush v63, $0x8;
	s9 =	sand.u32 $0x1FFFFFF0, s30;
	s10 =	spop (v2sf)  }
0x3c: {  	(v2sf) =	vpush v1, $0x9;
	[tilespmem:s8], [sflag:$0x1] =	stream.linear.gather [hbm4b:s26+s2], $0x80, $0x38;
	[tilespmem:$0x10400] =	vst v63  }
0x3d: {  	s6 =	sadd.s32 s3, s28;
	s7 =	sadd.s32 s3, s9;
	s8 =	sand.u32 $0x1FFFFFF0, s10  }
0x3e: {  	(v2sf) =	vpush v63, $0x9;
	[tilespmem:s23], [sflag:$0x1] =	stream.linear.gather [hbm4b:s6+s2], $0x80, $0x38;
	[tilespmem:$0x10400] =	vst v63  }
0x3f: {  	s13 =	spop (v2sf);
	s9 =	simm.s32 $0x8A80;
	s26 =	simm.s32 $0x8780;
	(v2sf) =	vpush v1, $0xA  }
0x40: {  	[tilespmem:s4], [sflag:$0x1] =	stream.linear.gather [hbm4b:s7+s2], $0x80, $0x38;
	[tilespmem:$0x10400] =	vst v63  }
0x41: {  	s14 =	sadd.s32 s3, s8;
	s15 =	sand.u32 $0x1FFFFFF0, s13;
	s18 =	spop (v2sf);
	(v2sf) =	vpush v63, $0xA  }
0x42: {  	[tilespmem:s29], [sflag:$0x1] =	stream.linear.gather [hbm4b:s14+s2], $0x80, $0x38;
	[tilespmem:$0x10400] =	vst v63  }
0x43: {  	s13 =	simm.s32 $0x8880;
	s19 =	sadd.s32 s3, s15;
	s5 =	sand.u32 $0x1FFFFFF0, s18  }
0x44: {  	[tilespmem:s31], [sflag:$0x1] =	stream.linear.gather [hbm4b:s19+s2], $0x80, $0x38;
	[tilespmem:$0x10400] =	vst v63  }
0x45: {  	s23 =	simm.s32 $0x780;
	s5 =	sadd.s32 s3, s5;
	s21 =	spop (v2sf)  }
0x46: {  	[tilespmem:s20], [sflag:$0x1] =	stream.linear.gather [hbm4b:s5+s2], $0x80, $0x38;
	[tilespmem:$0x10400] =	vst v63  }
0x47: {  	s15 =	simm.s32 $0x900;
	(v2sf) =	vpush v1, $0xB;
	s7 =	sand.u32 $0x1FFFFFF0, s21;
	s22 =	spop (v2sf)  }
0x48: {  	s4 =	simm.s32 $0x8980;
	s24 =	sadd.s32 s3, s7;
	s28 =	spop (v2sf)  }
0x49: {  	(v2sf) =	vpush v63, $0xB;
	[tilespmem:s23], [sflag:$0x1] =	stream.linear.gather [hbm4b:s24+s2], $0x80, $0x38;
	[tilespmem:$0x10400] =	vst v63  }
0x4a: {  	s29 =	simm.s32 $0x800;
	s25 =	sand.u32 $0x1FFFFFF0, s22;
	s30 =	spop (v2sf)  }
0x4b: {  	s7 =	sadd.s32 s3, s25;
	s6 =	sand.u32 $0x1FFFFFF0, s28;
	s31 =	spop (v2sf)  }
0x4c: {  	(v2sf) =	vpush v1, $0xC;
	[tilespmem:s26], [sflag:$0x1] =	stream.linear.gather [hbm4b:s7+s2], $0x80, $0x38;
	[tilespmem:$0x10400] =	vst v63  }
0x4d: {  	s6 =	sadd.s32 s3, s6;
	s7 =	sand.u32 $0x1FFFFFF0, s30;
	s14 =	spop (v2sf)  }
0x4e: {  	(v2sf) =	vpush v63, $0xC;
	s10 =	sand.u32 $0x1FFFFFF0, s31;
	s26 =	simm.s32 $0x980;
	s18 =	spop (v2sf)  }
0x4f: {  	[tilespmem:s29], [sflag:$0x1] =	stream.linear.gather [hbm4b:s6+s2], $0x80, $0x38;
	[tilespmem:$0x10400] =	vst v63  }
0x50: {  	s7 =	sadd.s32 s3, s7;
	s6 =	simm.s32 $0x8800;
	s19 =	spop (v2sf)  }
0x51: {  	[tilespmem:s6], [sflag:$0x1] =	stream.linear.gather [hbm4b:s7+s2], $0x80, $0x38;
	[tilespmem:$0x10400] =	vst v63  }
0x52: {  	s21 =	sand.u32 $0x1FFFFFF0, s19;
	s7 =	sadd.s32 s3, s10;
	s6 =	sand.u32 $0x1FFFFFF0, s14  }
0x53: {  	[tilespmem:s1], [sflag:$0x1] =	stream.linear.gather [hbm4b:s7+s2], $0x80, $0x38;
	[tilespmem:$0x10400] =	vst v63  }
0x54: {  	s23 =	sadd.s32 s3, s21;
	s6 =	sadd.s32 s3, s6;
	s7 =	sand.u32 $0x1FFFFFF0, s18  }
0x55: {  	[tilespmem:s13], [sflag:$0x1] =	stream.linear.gather [hbm4b:s6+s2], $0x80, $0x38;
	[tilespmem:$0x10400] =	vst v63  }
0x56: {  	s21 =	simm.s32 $0x10;
	s20 =	sadd.s32 s3, s7;
	s22 =	spop (v2sf)  }
0x57: {  	[tilespmem:s15], [sflag:$0x1] =	stream.linear.gather [hbm4b:s20+s2], $0x80, $0x38;
	[tilespmem:$0x10400] =	vst v63  }
0x58: {  	s24 =	sand.u32 $0x1FFFFFF0, s22;
	s25 =	spop (v2sf);
	s22 =	simm.s32 $0x210  }
0x59: {  	(v2sf) =	vpush v1, $0xD;
	[tilespmem:s0], [sflag:$0x1] =	stream.linear.gather [hbm4b:s23+s2], $0x80, $0x38;
	[tilespmem:$0x10400] =	vst v63  }
0x5a: {  	(v2sf) =	vpush v63, $0xD;
	s28 =	sadd.s32 s3, s24;
	s29 =	sand.u32 $0x1FFFFFF0, s25;
	s25 =	simm.s32 $0xA00  }
0x5b: {  	(v2sf) =	vpush v1, $0xE;
	s24 =	simm.s32 $0xB00;
	s23 =	simm.s32 $0x8B00;
	s31 =	spop (v2sf)  }
0x5c: {  	(v2sf) =	vpush v63, $0xE;
	[tilespmem:s26], [sflag:$0x1] =	stream.linear.gather [hbm4b:s28+s2], $0x80, $0x38;
	[tilespmem:$0x10400] =	vst v63  }
0x5d: {  	s30 =	sadd.s32 s3, s29;
	(v2sf) =	vpush v1, $0xF;
	s0 =	sand.u32 $0x1FFFFFF0, s31;
	s1 =	spop (v2sf)  }
0x5e: {  	(v2sf) =	vpush v63, $0xF;
	[tilespmem:s4], [sflag:$0x1] =	stream.linear.gather [hbm4b:s30+s2], $0x80, $0x38;
	[tilespmem:$0x10400] =	vst v63  }
.LBB2_2:
0x5f: {  	_ =	sdelay $0x4  }
0x60: {  	s0 =	sadd.s32 s3, s0;
	s1 =	sand.u32 $0x1FFFFFF0, s1  }
0x61: {  	[tilespmem:s25], [sflag:$0x1] =	stream.linear.gather [hbm4b:s0+s2], $0x80, $0x38;
	[tilespmem:$0x10400] =	vst v63  }
0x62: {  	s18 =	sadd.s32 s3, s1  }
0x63: {  	[tilespmem:s11], [sflag:$0x1] =	stream.linear.gather [hbm4b:s18+s2], $0x80, $0x38;
	[tilespmem:$0x10400] =	vst v63  }
0x64: {  	s4 =	spop (v2sf)  }
0x65: {  	s19 =	sand.u32 $0x1FFFFFF0, s4;
	s20 =	spop (v2sf)  }
0x66: {  	s25 =	sadd.s32 s3, s19;
	s26 =	sand.u32 $0x1FFFFFF0, s20;
	s28 =	spop (v2sf)  }
0x67: {  	[tilespmem:s12], [sflag:$0x1] =	stream.linear.gather [hbm4b:s25+s2], $0x80, $0x38;
	[tilespmem:$0x10400] =	vst v63  }
0x68: {  	s29 =	sadd.s32 s3, s26;
	s30 =	sand.u32 $0x1FFFFFF0, s28;
	s31 =	spop (v2sf)  }
0x69: {  	[tilespmem:s9], [sflag:$0x1] =	stream.linear.gather [hbm4b:s29+s2], $0x80, $0x38;
	[tilespmem:$0x10400] =	vst v63  }
0x6a: {  	s1 =	sadd.s32 s3, s30;
	s5 =	sand.u32 $0x1FFFFFF0, s31;
	s6 =	spop (v2sf)  }
0x6b: {  	[tilespmem:s24], [sflag:$0x1] =	stream.linear.gather [hbm4b:s1+s2], $0x80, $0x38;
	[tilespmem:$0x10400] =	vst v63  }
0x6c: {  	s7 =	sadd.s32 s3, s5;
	s8 =	sand.u32 $0x1FFFFFF0, s6;
	s9 =	spop (v2sf)  }
0x6d: {  	[tilespmem:s23], [sflag:$0x1] =	stream.linear.gather [hbm4b:s7+s2], $0x80, $0x38;
	[tilespmem:$0x10400] =	vst v63  }
0x6e: {  	s10 =	sadd.s32 $0xB80, s16;
	s4 =	sand.u32 $0x1FFFFFF0, s9;
	s1 =	sadd.s32 s3, s8  }
0x6f: {  	[tilespmem:s10], [sflag:$0x1] =	stream.linear.gather [hbm4b:s1+s2], $0x80, $0x38;
	[tilespmem:$0x10400] =	vst v63  }
0x70: {  	s11 =	sadd.s32 $0x8B80, s16;
	s12 =	sadd.s32 s3, s4  }
0x71: {  	[tilespmem:s11], [sflag:$0x1] =	stream.linear.gather [hbm4b:s12+s2], $0x80, $0x38;
	[tilespmem:$0x10400] =	vst v63  }
0x72: {  	v0 =	vld [tilespmem:s21+$0x0]  }
0x73: {  	v2 =	vld [tilespmem:s22+$0x0];
	_ =	sdelay $0x3  }
0x74: {  	v1 =	vshll.u32 v0, $0x4  }
0x75: {  	s13 =	smov.u32 s17;
	v63 =	vshll.u32 v2, $0x4;
	(v2sf) =	vpush v1, $0x0  }
0x76: {  	s16 =	sshra.s32 s13, $0x2;
	(v2sf) =	vpush v63, $0x0  }
0x77: {  	p0 =	sne.s32 s17, $0x1E000;
	s17 =	sadd.s32 $0x2000, s17;
	s0 =	sadd.s32 $0x680, s16;
	(v2sf) =	vpush v1, $0x1  }
0x78: {  	s18 =	sadd.s32 $0x8400, s16;
	s14 =	sadd.s32 $0x880, s16;
	[dreg:$0x11] =	wrdreg s0  }
0x79: {  	s15 =	sadd.s32 $0x8900, s16;
	s13 =	sadd.s32 $0x8880, s16;
	[dreg:$0x7] =	wrdreg s14;
	(v2sf) =	vpush v63, $0x1  }
0x7a: {  	[dreg:$0x3] =	wrdreg s15;
	s15 =	sadd.s32 $0x580, s16;
	s0 =	sadd.s32 $0x500, s16  }
0x7b: {  	[dreg:$0xb] =	wrdreg s13;
	s13 =	sadd.s32 $0x780, s16;
	s14 =	sadd.s32 $0x8800, s16;
	(v2sf) =	vpush v1, $0x2  }
0x7c: {  	[dreg:$0xd] =	wrdreg s14;
	s14 =	sadd.s32 $0x8780, s16;
	s19 =	sadd.s32 $0x900, s16  }
0x7d: {  	s28 =	sadd.s32 $0x8480, s16;
	[dreg:$0x9] =	wrdreg s19;
	s19 =	sadd.s32 $0x800, s16;
	(v2sf) =	vpush v63, $0x2  }
0x7e: {  	s25 =	sadd.s32 $0xA00, s16;
	s30 =	sadd.s32 $0x480, s16;
	[dreg:$0xf] =	wrdreg s19  }
0x7f: {  	s29 =	sadd.s32 $0x400, s16;
	s5 =	sadd.s32 $0x8980, s16;
	s6 =	sadd.s32 $0x8700, s16;
	(v2sf) =	vpush v1, $0x3  }
0x80: {  	s9 =	sadd.s32 $0x600, s16;
	[dreg:$0x5] =	wrdreg s5;
	s5 =	sadd.s32 $0x8A80, s16  }
0x81: {  	s4 =	sadd.s32 $0x8A00, s16;
	s8 =	sadd.s32 $0x8680, s16;
	s24 =	sadd.s32 $0xB00, s16;
	(v2sf) =	vpush v63, $0x3  }
0x82: {  	s7 =	sadd.s32 $0x700, s16;
	s23 =	sadd.s32 $0x8B00, s16;
	s10 =	sadd.s32 $0x8600, s16  }
0x83: {  	s1 =	sadd.s32 $0xA80, s16;
	s12 =	sadd.s32 $0x8580, s16;
	s11 =	sadd.s32 $0x8500, s16;
	(v2sf) =	vpush v1, $0x4  }
0x84: {  	s21 =	sadd.s32 $0x10, s21;
	s22 =	sadd.s32 $0x10, s22;
	s26 =	spop (v2sf)  }
0x85: {  	s31 =	sand.u32 $0x1FFFFFF0, s26;
	s26 =	sadd.s32 $0x980, s16;
	s20 =	spop (v2sf);
	(v2sf) =	vpush v63, $0x4  }
0x86: {  	s31 =	sadd.s32 s3, s31;
	s19 =	sand.u32 $0x1FFFFFF0, s20;
	s20 =	spop (v2sf)  }
0x87: {  	[tilespmem:s29], [sflag:$0x1] =	stream.linear.gather [hbm4b:s31+s2], $0x80, $0x38;
	[tilespmem:$0x10400] =	vst v63  }
0x88: {  	(v2sf) =	vpush v1, $0x5;
	s19 =	sadd.s32 s3, s19;
	s20 =	sand.u32 $0x1FFFFFF0, s20;
	s31 =	spop (v2sf)  }
0x89: {  	(v2sf) =	vpush v63, $0x5;
	[tilespmem:s18], [sflag:$0x1] =	stream.linear.gather [hbm4b:s19+s2], $0x80, $0x38;
	[tilespmem:$0x10400] =	vst v63  }
0x8a: {  	s20 =	sadd.s32 s3, s20;
	s29 =	sand.u32 $0x1FFFFFF0, s31;
	s31 =	spop (v2sf)  }
0x8b: {  	(v2sf) =	vpush v1, $0x6;
	[tilespmem:s30], [sflag:$0x1] =	stream.linear.gather [hbm4b:s20+s2], $0x80, $0x38;
	[tilespmem:$0x10400] =	vst v63  }
0x8c: {  	s29 =	sadd.s32 s3, s29;
	s30 =	sand.u32 $0x1FFFFFF0, s31;
	s31 =	spop (v2sf)  }
0x8d: {  	(v2sf) =	vpush v63, $0x6;
	[tilespmem:s28], [sflag:$0x1] =	stream.linear.gather [hbm4b:s29+s2], $0x80, $0x38;
	[tilespmem:$0x10400] =	vst v63  }
0x8e: {  	s29 =	sadd.s32 s3, s30;
	s30 =	sand.u32 $0x1FFFFFF0, s31;
	s31 =	spop (v2sf)  }
0x8f: {  	(v2sf) =	vpush v1, $0x7;
	[tilespmem:s0], [sflag:$0x1] =	stream.linear.gather [hbm4b:s29+s2], $0x80, $0x38;
	[tilespmem:$0x10400] =	vst v63  }
0x90: {  	s19 =	sadd.s32 s3, s30;
	s20 =	sand.u32 $0x1FFFFFF0, s31;
	s28 =	spop (v2sf)  }
0x91: {  	[tilespmem:s11], [sflag:$0x1] =	stream.linear.gather [hbm4b:s19+s2], $0x80, $0x38;
	[tilespmem:$0x10400] =	vst v63  }
0x92: {  	s29 =	sadd.s32 s3, s20;
	s30 =	sand.u32 $0x1FFFFFF0, s28;
	s31 =	spop (v2sf)  }
0x93: {  	(v2sf) =	vpush v63, $0x7;
	[tilespmem:s15], [sflag:$0x1] =	stream.linear.gather [hbm4b:s29+s2], $0x80, $0x38;
	[tilespmem:$0x10400] =	vst v63  }
0x94: {  	s20 =	sand.u32 $0x1FFFFFF0, s31;
	s19 =	sadd.s32 s3, s30;
	s28 =	spop (v2sf)  }
0x95: {  	(v2sf) =	vpush v1, $0x8;
	[tilespmem:s12], [sflag:$0x1] =	stream.linear.gather [hbm4b:s19+s2], $0x80, $0x38;
	[tilespmem:$0x10400] =	vst v63  }
0x96: {  	s11 =	smov.u32 s4;
	s29 =	sadd.s32 s3, s20;
	s30 =	sand.u32 $0x1FFFFFF0, s28  }
0x97: {  	(v2sf) =	vpush v63, $0x8;
	s31 =	spop (v2sf);
	s12 =	smov.u32 s1;
	s15 =	sadd.s32 s3, s30  }
0x98: {  	(v2sf) =	vpush v1, $0x9;
	s18 =	sand.u32 $0x1FFFFFF0, s31;
	s19 =	spop (v2sf);
	s30 =	rddreg [dreg:$0x11]  }
0x99: {  	[tilespmem:s9], [sflag:$0x1] =	stream.linear.gather [hbm4b:s29+s2], $0x80, $0x38;
	[tilespmem:$0x10400] =	vst v63  }
0x9a: {  	s20 =	sadd.s32 s3, s18;
	s28 =	sand.u32 $0x1FFFFFF0, s19;
	s29 =	spop (v2sf)  }
0x9b: {  	[tilespmem:s10], [sflag:$0x1] =	stream.linear.gather [hbm4b:s15+s2], $0x80, $0x38;
	[tilespmem:$0x10400] =	vst v63  }
0x9c: {  	(v2sf) =	vpush v63, $0x9;
	s31 =	sadd.s32 s3, s28;
	s1 =	sand.u32 $0x1FFFFFF0, s29;
	s4 =	spop (v2sf)  }
0x9d: {  	[tilespmem:s30], [sflag:$0x1] =	stream.linear.gather [hbm4b:s20+s2], $0x80, $0x38;
	[tilespmem:$0x10400] =	vst v63  }
0x9e: {  	(v2sf) =	vpush v1, $0xA;
	s9 =	sadd.s32 s3, s1;
	s10 =	sand.u32 $0x1FFFFFF0, s4;
	s15 =	spop (v2sf)  }
0x9f: {  	[tilespmem:s8], [sflag:$0x1] =	stream.linear.gather [hbm4b:s31+s2], $0x80, $0x38;
	[tilespmem:$0x10400] =	vst v63  }
0xa0: {  	(v2sf) =	vpush v63, $0xA;
	s18 =	sadd.s32 s3, s10;
	s19 =	sand.u32 $0x1FFFFFF0, s15;
	s8 =	rddreg [dreg:$0xf]  }
0xa1: {  	[tilespmem:s7], [sflag:$0x1] =	stream.linear.gather [hbm4b:s9+s2], $0x80, $0x38;
	[tilespmem:$0x10400] =	vst v63  }
0xa2: {  	s20 =	spop (v2sf);
	s15 =	rddreg [dreg:$0xd];
	s28 =	sadd.s32 s3, s19  }
0xa3: {  	[tilespmem:s6], [sflag:$0x1] =	stream.linear.gather [hbm4b:s18+s2], $0x80, $0x38;
	[tilespmem:$0x10400] =	vst v63  }
0xa4: {  	(v2sf) =	vpush v1, $0xB;
	s29 =	sand.u32 $0x1FFFFFF0, s20;
	s30 =	spop (v2sf);
	s9 =	smov.u32 s5  }
0xa5: {  	[tilespmem:s13], [sflag:$0x1] =	stream.linear.gather [hbm4b:s28+s2], $0x80, $0x38;
	[tilespmem:$0x10400] =	vst v63  }
0xa6: {  	(v2sf) =	vpush v63, $0xB;
	s31 =	sadd.s32 s3, s29;
	s1 =	sand.u32 $0x1FFFFFF0, s30;
	s4 =	spop (v2sf)  }
0xa7: {  	(v2sf) =	vpush v1, $0xC;
	s5 =	sadd.s32 s3, s1;
	s6 =	sand.u32 $0x1FFFFFF0, s4;
	s7 =	spop (v2sf)  }
0xa8: {  	[tilespmem:s14], [sflag:$0x1] =	stream.linear.gather [hbm4b:s31+s2], $0x80, $0x38;
	[tilespmem:$0x10400] =	vst v63  }
0xa9: {  	(v2sf) =	vpush v63, $0xC;
	s28 =	rddreg [dreg:$0x7];
	s10 =	sadd.s32 s3, s6;
	s13 =	sand.u32 $0x1FFFFFF0, s7  }
0xaa: {  	[tilespmem:s8], [sflag:$0x1] =	stream.linear.gather [hbm4b:s5+s2], $0x80, $0x38;
	[tilespmem:$0x10400] =	vst v63  }
0xab: {  	s14 =	spop (v2sf);
	s6 =	rddreg [dreg:$0xb];
	s18 =	sadd.s32 s3, s13  }
0xac: {  	[tilespmem:s15], [sflag:$0x1] =	stream.linear.gather [hbm4b:s10+s2], $0x80, $0x38;
	[tilespmem:$0x10400] =	vst v63  }
0xad: {  	s19 =	sand.u32 $0x1FFFFFF0, s14;
	s20 =	spop (v2sf);
	s13 =	rddreg [dreg:$0x9]  }
0xae: {  	[tilespmem:s28], [sflag:$0x1] =	stream.linear.gather [hbm4b:s18+s2], $0x80, $0x38;
	[tilespmem:$0x10400] =	vst v63  }
0xaf: {  	s29 =	sadd.s32 s3, s19;
	s30 =	sand.u32 $0x1FFFFFF0, s20;
	s31 =	spop (v2sf)  }
0xb0: {  	[tilespmem:s6], [sflag:$0x1] =	stream.linear.gather [hbm4b:s29+s2], $0x80, $0x38;
	[tilespmem:$0x10400] =	vst v63  }
0xb1: {  	s19 =	rddreg [dreg:$0x3];
	s7 =	sadd.s32 s3, s30;
	s8 =	sand.u32 $0x1FFFFFF0, s31  }
0xb2: {  	[tilespmem:s13], [sflag:$0x1] =	stream.linear.gather [hbm4b:s7+s2], $0x80, $0x38;
	[tilespmem:$0x10400] =	vst v63  }
0xb3: {  	s31 =	rddreg [dreg:$0x5];
	s10 =	spop (v2sf);
	s14 =	sadd.s32 s3, s8  }
0xb4: {  	(v2sf) =	vpush v1, $0xD;
	[tilespmem:s19], [sflag:$0x1] =	stream.linear.gather [hbm4b:s14+s2], $0x80, $0x38;
	[tilespmem:$0x10400] =	vst v63  }
.Ltmp0:
0xb5: {  	(v2sf) =	vpush v63, $0xD;
	s15 =	sand.u32 $0x1FFFFFF0, s10;
	s18 =	spop (v2sf);
	(pc) =	sbr.rel @p0 .LBB2_2-.Ltmp0, $4  }
0xb6: {  	(v2sf) =	vpush v1, $0xE;
	s20 =	sadd.s32 s3, s15;
	s28 =	sand.u32 $0x1FFFFFF0, s18;
	s29 =	spop (v2sf)  }
0xb7: {  	(v2sf) =	vpush v63, $0xE;
	[tilespmem:s26], [sflag:$0x1] =	stream.linear.gather [hbm4b:s20+s2], $0x80, $0x38;
	[tilespmem:$0x10400] =	vst v63  }
0xb8: {  	(v2sf) =	vpush v1, $0xF;
	s30 =	sadd.s32 s3, s28;
	s0 =	sand.u32 $0x1FFFFFF0, s29;
	s1 =	spop (v2sf)  }
0xb9: {  	(v2sf) =	vpush v63, $0xF;
	[tilespmem:s31], [sflag:$0x1] =	stream.linear.gather [hbm4b:s30+s2], $0x80, $0x38;
	[tilespmem:$0x10400] =	vst v63  }
0xba: {  	_ =	sdelay $0x4  }
0xbb: {  	s0 =	sadd.s32 s3, s0;
	s1 =	sand.u32 $0x1FFFFFF0, s1  }
0xbc: {  	[tilespmem:s25], [sflag:$0x1] =	stream.linear.gather [hbm4b:s0+s2], $0x80, $0x38;
	[tilespmem:$0x10400] =	vst v63  }
0xbd: {  	s25 =	sadd.s32 s3, s1  }
0xbe: {  	[tilespmem:s11], [sflag:$0x1] =	stream.linear.gather [hbm4b:s25+s2], $0x80, $0x38;
	[tilespmem:$0x10400] =	vst v63  }
0xbf: {  	s4 =	spop (v2sf)  }
0xc0: {  	s26 =	sand.u32 $0x1FFFFFF0, s4;
	s28 =	spop (v2sf)  }
0xc1: {  	s29 =	sadd.s32 s3, s26;
	s30 =	sand.u32 $0x1FFFFFF0, s28;
	s31 =	spop (v2sf)  }
0xc2: {  	[tilespmem:s12], [sflag:$0x1] =	stream.linear.gather [hbm4b:s29+s2], $0x80, $0x38;
	[tilespmem:$0x10400] =	vst v63  }
0xc3: {  	s1 =	sadd.s32 s3, s30;
	s4 =	sand.u32 $0x1FFFFFF0, s31;
	s5 =	spop (v2sf)  }
0xc4: {  	[tilespmem:s9], [sflag:$0x1] =	stream.linear.gather [hbm4b:s1+s2], $0x80, $0x38;
	[tilespmem:$0x10400] =	vst v63  }
0xc5: {  	s6 =	sadd.s32 s3, s4;
	s7 =	sand.u32 $0x1FFFFFF0, s5;
	s8 =	spop (v2sf)  }
0xc6: {  	[tilespmem:s24], [sflag:$0x1] =	stream.linear.gather [hbm4b:s6+s2], $0x80, $0x38;
	[tilespmem:$0x10400] =	vst v63  }
0xc7: {  	s9 =	sadd.s32 s3, s7;
	s10 =	sand.u32 $0x1FFFFFF0, s8;
	s11 =	spop (v2sf)  }
0xc8: {  	[tilespmem:s23], [sflag:$0x1] =	stream.linear.gather [hbm4b:s9+s2], $0x80, $0x38;
	[tilespmem:$0x10400] =	vst v63  }
0xc9: {  	s12 =	sadd.s32 $0xB80, s16;
	s1 =	sadd.s32 s3, s10;
	s4 =	sand.u32 $0x1FFFFFF0, s11  }
0xca: {  	[tilespmem:s12], [sflag:$0x1] =	stream.linear.gather [hbm4b:s1+s2], $0x80, $0x38;
	[tilespmem:$0x10400] =	vst v63  }
0xcb: {  	s13 =	sadd.s32 $0x8B80, s16;
	s15 =	simm.s32 $0x1;
	s14 =	sadd.s32 s3, s4  }
0xcc: {  	[tilespmem:s13], [sflag:$0x1] =	stream.linear.gather [hbm4b:s14+s2], $0x80, $0x38;
	[tilespmem:$0x10400] =	vst v63  }
0xcd: {  	_ =	swait.ge [sflag:s15], $0x8000  }
0xce: {  	[sflag:s15] =	ssyncset.done $0x0  }
0xcf: {  	[sflag:s15] =	ssyncadd.s32 $0xFFFF8000  }
0xd0: {  	_ =	swait.ge [sflag:s15], $0x8000  }
0xd1: {  	s18 =	simm.s32 $0x400;
	s19 =	simm.s32 $0x2;
	[sflag:s15] =	ssyncset.done $0x0  }
0xd2: {  	s16 =	simm.s32 $0x0;
	s17 =	rddreg [dreg:$0x15];
	[sflag:s15] =	ssyncadd.s32 $0xFFFF8000  }
0xd3: {  	[hbm4b:s17+s16] =	stream.linear.scatter [tilespmem:s18], [sflag:$0x2], $0x8000, $0x38;
	[tilespmem:$0x10400] =	vst v63  }
0xd4: {  	_ =	swait.ge [sflag:s19], $0x8000  }
0xd5: {  	[sflag:s19] =	ssyncset.done $0x0  }
0xd6: {  	s5 =	simm.s32 $0x8400;
	s20 =	rddreg [dreg:$0x16];
	[sflag:s19] =	ssyncadd.s32 $0xFFFF8000  }
0xd7: {  	[hbm4b:s20+s16] =	stream.linear.scatter [tilespmem:s5], [sflag:$0x2], $0x8000, $0x38;
	[tilespmem:$0x10400] =	vst v63  }
0xd8: {  	_ =	swait.ge [sflag:s19], $0x8000  }
0xd9: {  	[sflag:s19] =	ssyncset.done $0x0  }
0xda: {  	s21 =	simm.s32 $0x100;
	[sflag:s19] =	ssyncadd.s32 $0xFFFF8000  }
0xdb: {  	s22 =	simm.s32 $0x300;
	v0 =	vld [tilespmem:s21+$0x0]  }
0xdc: {  	v2 =	vld [tilespmem:s22+$0x0];
	_ =	sdelay $0x3  }
0xdd: {  	v1 =	vshll.u32 v0, $0x4  }
0xde: {  	v63 =	vshll.u32 v2, $0x4;
	(v2sf) =	vpush v1, $0x0  }
0xdf: {  	(v2sf) =	vpush v63, $0x0  }
0xe0: {  	(v2sf) =	vpush v1, $0x1;
	_ =	sdelay $0x1  }
0xe1: {  	(v2sf) =	vpush v63, $0x1  }
0xe2: {  	(v2sf) =	vpush v1, $0x2;
	_ =	sdelay $0x3  }
0xe3: {  	(v2sf) =	vpush v63, $0x2;
	_ =	sdelay $0x1  }
0xe4: {  	s0 =	simm.s32 $0x8900;
	(v2sf) =	vpush v1, $0x3  }
0xe5: {  	s29 =	simm.s32 $0x480;
	s8 =	simm.s32 $0x600;
	s11 =	simm.s32 $0x8480  }
0xe6: {  	s4 =	simm.s32 $0x680;
	s6 =	simm.s32 $0x400;
	s24 =	simm.s32 $0x580  }
0xe7: {  	s23 =	simm.s32 $0x8400;
	s1 =	simm.s32 $0x880;
	s13 =	simm.s32 $0x500  }
0xe8: {  	s17 =	simm.s32 $0x2000;
	s18 =	simm.s32 $0x8500;
	(v2sf) =	vpush v63, $0x3;
	s7 =	spop (v2sf)  }
0xe9: {  	s16 =	simm.s32 $0x0;
	s7 =	sand.u32 $0x1FFFFFF0, s7;
	s10 =	spop (v2sf)  }
0xea: {  	(v2sf) =	vpush v1, $0x4;
	s7 =	sadd.s32 s3, s7;
	s25 =	sand.u32 $0x1FFFFFF0, s10;
	s26 =	spop (v2sf)  }
0xeb: {  	(v2sf) =	vpush v63, $0x4;
	[tilespmem:s6], [sflag:$0x1] =	stream.linear.gather [hbm4b:s7+s2], $0x80, $0x38;
	[tilespmem:$0x10400] =	vst v63  }
0xec: {  	s6 =	simm.s32 $0x8580;
	s7 =	sadd.s32 s3, s25;
	s28 =	spop (v2sf)  }
0xed: {  	s10 =	sand.u32 $0x1FFFFFF0, s26;
	(v2sf) =	vpush v1, $0x5;
	s31 =	sand.u32 $0x1FFFFFF0, s28;
	s12 =	spop (v2sf)  }
0xee: {  	[tilespmem:s23], [sflag:$0x1] =	stream.linear.gather [hbm4b:s7+s2], $0x80, $0x38;
	[tilespmem:$0x10400] =	vst v63  }
0xef: {  	s30 =	sadd.s32 s3, s10;
	s10 =	sadd.s32 s3, s31;
	s7 =	sand.u32 $0x1FFFFFF0, s12  }
0xf0: {  	(v2sf) =	vpush v63, $0x5;
	[tilespmem:s29], [sflag:$0x1] =	stream.linear.gather [hbm4b:s30+s2], $0x80, $0x38;
	[tilespmem:$0x10400] =	vst v63  }
0xf1: {  	(v2sf) =	vpush v1, $0x6;
	s14 =	spop (v2sf);
	s23 =	simm.s32 $0x8600;
	s12 =	simm.s32 $0xA80  }
0xf2: {  	[tilespmem:s11], [sflag:$0x1] =	stream.linear.gather [hbm4b:s10+s2], $0x80, $0x38;
	[tilespmem:$0x10400] =	vst v63  }
0xf3: {  	s7 =	sadd.s32 s3, s7;
	s15 =	spop (v2sf);
	(v2sf) =	vpush v63, $0x6;
	s10 =	sand.u32 $0x1FFFFFF0, s14  }
0xf4: {  	[tilespmem:s13], [sflag:$0x1] =	stream.linear.gather [hbm4b:s7+s2], $0x80, $0x38;
	[tilespmem:$0x10400] =	vst v63  }
0xf5: {  	s31 =	simm.s32 $0x700;
	s20 =	sand.u32 $0x1FFFFFF0, s15;
	s19 =	sadd.s32 s3, s10  }
0xf6: {  	[tilespmem:s18], [sflag:$0x1] =	stream.linear.gather [hbm4b:s19+s2], $0x80, $0x38;
	[tilespmem:$0x10400] =	vst v63  }
0xf7: {  	s21 =	spop (v2sf);
	(v2sf) =	vpush v1, $0x7;
	s29 =	simm.s32 $0x8680;
	s22 =	sadd.s32 s3, s20  }
0xf8: {  	[tilespmem:s24], [sflag:$0x1] =	stream.linear.gather [hbm4b:s22+s2], $0x80, $0x38;
	[tilespmem:$0x10400] =	vst v63  }
0xf9: {  	(v2sf) =	vpush v63, $0x7;
	s5 =	sand.u32 $0x1FFFFFF0, s21;
	s20 =	simm.s32 $0x8700;
	s24 =	spop (v2sf)  }
0xfa: {  	s5 =	sadd.s32 s3, s5;
	s9 =	sand.u32 $0x1FFFFFF0, s24;
	s25 =	spop (v2sf)  }
0xfb: {  	(v2sf) =	vpush v1, $0x8;
	[tilespmem:s6], [sflag:$0x1] =	stream.linear.gather [hbm4b:s5+s2], $0x80, $0x38;
	[tilespmem:$0x10400] =	vst v63  }
0xfc: {  	s26 =	sadd.s32 s3, s9;
	s28 =	sand.u32 $0x1FFFFFF0, s25;
	s30 =	spop (v2sf)  }
0xfd: {  	(v2sf) =	vpush v63, $0x8;
	[tilespmem:s8], [sflag:$0x1] =	stream.linear.gather [hbm4b:s26+s2], $0x80, $0x38;
	[tilespmem:$0x10400] =	vst v63  }
0xfe: {  	s11 =	simm.s32 $0x8A00;
	s6 =	sadd.s32 s3, s28;
	s9 =	sand.u32 $0x1FFFFFF0, s30  }
0xff: {  	(v2sf) =	vpush v1, $0x9;
	s10 =	spop (v2sf);
	s26 =	simm.s32 $0x8780;
	s7 =	sadd.s32 s3, s9  }
0x100: {  	(v2sf) =	vpush v63, $0x9;
	s8 =	sand.u32 $0x1FFFFFF0, s10;
	s13 =	spop (v2sf);
	s9 =	simm.s32 $0x8A80  }
0x101: {  	[tilespmem:s23], [sflag:$0x1] =	stream.linear.gather [hbm4b:s6+s2], $0x80, $0x38;
	[tilespmem:$0x10400] =	vst v63  }
0x102: {  	(v2sf) =	vpush v1, $0xA;
	s14 =	sadd.s32 s3, s8;
	s15 =	sand.u32 $0x1FFFFFF0, s13;
	s18 =	spop (v2sf)  }
0x103: {  	(v2sf) =	vpush v63, $0xA;
	[tilespmem:s4], [sflag:$0x1] =	stream.linear.gather [hbm4b:s7+s2], $0x80, $0x38;
	[tilespmem:$0x10400] =	vst v63  }
0x104: {  	s23 =	simm.s32 $0x780;
	s13 =	simm.s32 $0x8880;
	s19 =	sadd.s32 s3, s15  }
0x105: {  	[tilespmem:s29], [sflag:$0x1] =	stream.linear.gather [hbm4b:s14+s2], $0x80, $0x38;
	[tilespmem:$0x10400] =	vst v63  }
0x106: {  	s5 =	sand.u32 $0x1FFFFFF0, s18;
	s21 =	spop (v2sf);
	(v2sf) =	vpush v1, $0xB;
	s15 =	simm.s32 $0x900  }
0x107: {  	[tilespmem:s31], [sflag:$0x1] =	stream.linear.gather [hbm4b:s19+s2], $0x80, $0x38;
	[tilespmem:$0x10400] =	vst v63  }
0x108: {  	s5 =	sadd.s32 s3, s5;
	s7 =	sand.u32 $0x1FFFFFF0, s21;
	s22 =	spop (v2sf);
	(v2sf) =	vpush v63, $0xB  }
0x109: {  	[tilespmem:s20], [sflag:$0x1] =	stream.linear.gather [hbm4b:s5+s2], $0x80, $0x38;
	[tilespmem:$0x10400] =	vst v63  }
0x10a: {  	s24 =	sadd.s32 s3, s7;
	s25 =	sand.u32 $0x1FFFFFF0, s22;
	s28 =	spop (v2sf)  }
0x10b: {  	[tilespmem:s23], [sflag:$0x1] =	stream.linear.gather [hbm4b:s24+s2], $0x80, $0x38;
	[tilespmem:$0x10400] =	vst v63  }
0x10c: {  	s4 =	simm.s32 $0x8980;
	s7 =	sadd.s32 s3, s25;
	s30 =	spop (v2sf)  }
0x10d: {  	[tilespmem:s26], [sflag:$0x1] =	stream.linear.gather [hbm4b:s7+s2], $0x80, $0x38;
	[tilespmem:$0x10400] =	vst v63  }
0x10e: {  	s29 =	simm.s32 $0x800;
	s6 =	sand.u32 $0x1FFFFFF0, s28;
	(v2sf) =	vpush v1, $0xC;
	s31 =	spop (v2sf)  }
0x10f: {  	s6 =	sadd.s32 s3, s6;
	s7 =	sand.u32 $0x1FFFFFF0, s30;
	s14 =	spop (v2sf)  }
0x110: {  	(v2sf) =	vpush v63, $0xC;
	[tilespmem:s29], [sflag:$0x1] =	stream.linear.gather [hbm4b:s6+s2], $0x80, $0x38;
	[tilespmem:$0x10400] =	vst v63  }
0x111: {  	s26 =	simm.s32 $0x980;
	s7 =	sadd.s32 s3, s7;
	s18 =	spop (v2sf)  }
0x112: {  	s10 =	sand.u32 $0x1FFFFFF0, s31;
	s6 =	simm.s32 $0x8800;
	s19 =	spop (v2sf)  }
0x113: {  	[tilespmem:s6], [sflag:$0x1] =	stream.linear.gather [hbm4b:s7+s2], $0x80, $0x38;
	[tilespmem:$0x10400] =	vst v63  }
0x114: {  	s7 =	sadd.s32 s3, s10;
	s6 =	sand.u32 $0x1FFFFFF0, s14;
	s21 =	sand.u32 $0x1FFFFFF0, s19  }
0x115: {  	s22 =	spop (v2sf);
	s6 =	sadd.s32 s3, s6;
	s23 =	sadd.s32 s3, s21  }
0x116: {  	[tilespmem:s1], [sflag:$0x1] =	stream.linear.gather [hbm4b:s7+s2], $0x80, $0x38;
	[tilespmem:$0x10400] =	vst v63  }
0x117: {  	s24 =	sand.u32 $0x1FFFFFF0, s22;
	s25 =	spop (v2sf);
	s7 =	sand.u32 $0x1FFFFFF0, s18  }
0x118: {  	[tilespmem:s13], [sflag:$0x1] =	stream.linear.gather [hbm4b:s6+s2], $0x80, $0x38;
	[tilespmem:$0x10400] =	vst v63  }
0x119: {  	s21 =	simm.s32 $0x110;
	s22 =	simm.s32 $0x310;
	s20 =	sadd.s32 s3, s7  }
0x11a: {  	[tilespmem:s15], [sflag:$0x1] =	stream.linear.gather [hbm4b:s20+s2], $0x80, $0x38;
	[tilespmem:$0x10400] =	vst v63  }
0x11b: {  	(v2sf) =	vpush v1, $0xD;
	s28 =	sadd.s32 s3, s24;
	s29 =	sand.u32 $0x1FFFFFF0, s25;
	s25 =	simm.s32 $0xA00  }
0x11c: {  	(v2sf) =	vpush v63, $0xD;
	[tilespmem:s0], [sflag:$0x1] =	stream.linear.gather [hbm4b:s23+s2], $0x80, $0x38;
	[tilespmem:$0x10400] =	vst v63  }
0x11d: {  	(v2sf) =	vpush v1, $0xE;
	s24 =	simm.s32 $0xB00;
	s30 =	sadd.s32 s3, s29;
	s31 =	spop (v2sf)  }
0x11e: {  	(v2sf) =	vpush v63, $0xE;
	[tilespmem:s26], [sflag:$0x1] =	stream.linear.gather [hbm4b:s28+s2], $0x80, $0x38;
	[tilespmem:$0x10400] =	vst v63  }
0x11f: {  	(v2sf) =	vpush v1, $0xF;
	s23 =	simm.s32 $0x8B00;
	s0 =	sand.u32 $0x1FFFFFF0, s31;
	s1 =	spop (v2sf)  }
0x120: {  	(v2sf) =	vpush v63, $0xF;
	[tilespmem:s4], [sflag:$0x1] =	stream.linear.gather [hbm4b:s30+s2], $0x80, $0x38;
	[tilespmem:$0x10400] =	vst v63  }
.LBB2_4:
0x121: {  	_ =	sdelay $0x4  }
0x122: {  	s0 =	sadd.s32 s3, s0;
	s1 =	sand.u32 $0x1FFFFFF0, s1  }
0x123: {  	[tilespmem:s25], [sflag:$0x1] =	stream.linear.gather [hbm4b:s0+s2], $0x80, $0x38;
	[tilespmem:$0x10400] =	vst v63  }
0x124: {  	s18 =	sadd.s32 s3, s1  }
0x125: {  	[tilespmem:s11], [sflag:$0x1] =	stream.linear.gather [hbm4b:s18+s2], $0x80, $0x38;
	[tilespmem:$0x10400] =	vst v63  }
0x126: {  	s4 =	spop (v2sf)  }
0x127: {  	s19 =	sand.u32 $0x1FFFFFF0, s4;
	s20 =	spop (v2sf)  }
0x128: {  	s25 =	sadd.s32 s3, s19;
	s26 =	sand.u32 $0x1FFFFFF0, s20;
	s28 =	spop (v2sf)  }
0x129: {  	[tilespmem:s12], [sflag:$0x1] =	stream.linear.gather [hbm4b:s25+s2], $0x80, $0x38;
	[tilespmem:$0x10400] =	vst v63  }
0x12a: {  	s29 =	sadd.s32 s3, s26;
	s30 =	sand.u32 $0x1FFFFFF0, s28;
	s31 =	spop (v2sf)  }
0x12b: {  	[tilespmem:s9], [sflag:$0x1] =	stream.linear.gather [hbm4b:s29+s2], $0x80, $0x38;
	[tilespmem:$0x10400] =	vst v63  }
0x12c: {  	s1 =	sadd.s32 s3, s30;
	s5 =	sand.u32 $0x1FFFFFF0, s31;
	s6 =	spop (v2sf)  }
0x12d: {  	[tilespmem:s24], [sflag:$0x1] =	stream.linear.gather [hbm4b:s1+s2], $0x80, $0x38;
	[tilespmem:$0x10400] =	vst v63  }
0x12e: {  	s7 =	sadd.s32 s3, s5;
	s8 =	sand.u32 $0x1FFFFFF0, s6;
	s9 =	spop (v2sf)  }
0x12f: {  	[tilespmem:s23], [sflag:$0x1] =	stream.linear.gather [hbm4b:s7+s2], $0x80, $0x38;
	[tilespmem:$0x10400] =	vst v63  }
0x130: {  	s10 =	sadd.s32 $0xB80, s16;
	s4 =	sand.u32 $0x1FFFFFF0, s9;
	s1 =	sadd.s32 s3, s8  }
0x131: {  	[tilespmem:s10], [sflag:$0x1] =	stream.linear.gather [hbm4b:s1+s2], $0x80, $0x38;
	[tilespmem:$0x10400] =	vst v63  }
0x132: {  	s11 =	sadd.s32 $0x8B80, s16;
	s12 =	sadd.s32 s3, s4  }
0x133: {  	[tilespmem:s11], [sflag:$0x1] =	stream.linear.gather [hbm4b:s12+s2], $0x80, $0x38;
	[tilespmem:$0x10400] =	vst v63  }
0x134: {  	v0 =	vld [tilespmem:s21+$0x0]  }
0x135: {  	v2 =	vld [tilespmem:s22+$0x0];
	_ =	sdelay $0x3  }
0x136: {  	v1 =	vshll.u32 v0, $0x4  }
0x137: {  	s13 =	smov.u32 s17;
	v63 =	vshll.u32 v2, $0x4;
	(v2sf) =	vpush v1, $0x0  }
0x138: {  	s16 =	sshra.s32 s13, $0x2;
	(v2sf) =	vpush v63, $0x0  }
0x139: {  	p0 =	sne.s32 s17, $0x1E000;
	s17 =	sadd.s32 $0x2000, s17;
	s0 =	sadd.s32 $0x680, s16;
	(v2sf) =	vpush v1, $0x1  }
0x13a: {  	s18 =	sadd.s32 $0x8400, s16;
	s14 =	sadd.s32 $0x880, s16;
	[dreg:$0x12] =	wrdreg s0  }
0x13b: {  	s15 =	sadd.s32 $0x8900, s16;
	s13 =	sadd.s32 $0x8880, s16;
	[dreg:$0x8] =	wrdreg s14;
	(v2sf) =	vpush v63, $0x1  }
0x13c: {  	[dreg:$0x4] =	wrdreg s15;
	s15 =	sadd.s32 $0x580, s16;
	s0 =	sadd.s32 $0x500, s16  }
0x13d: {  	[dreg:$0xc] =	wrdreg s13;
	s13 =	sadd.s32 $0x780, s16;
	s14 =	sadd.s32 $0x8800, s16;
	(v2sf) =	vpush v1, $0x2  }
0x13e: {  	[dreg:$0xe] =	wrdreg s14;
	s14 =	sadd.s32 $0x8780, s16;
	s19 =	sadd.s32 $0x900, s16  }
0x13f: {  	s28 =	sadd.s32 $0x8480, s16;
	[dreg:$0xa] =	wrdreg s19;
	s19 =	sadd.s32 $0x800, s16;
	(v2sf) =	vpush v63, $0x2  }
0x140: {  	s25 =	sadd.s32 $0xA00, s16;
	s30 =	sadd.s32 $0x480, s16;
	[dreg:$0x10] =	wrdreg s19  }
0x141: {  	s29 =	sadd.s32 $0x400, s16;
	s5 =	sadd.s32 $0x8980, s16;
	s6 =	sadd.s32 $0x8700, s16;
	(v2sf) =	vpush v1, $0x3  }
0x142: {  	s9 =	sadd.s32 $0x600, s16;
	[dreg:$0x6] =	wrdreg s5;
	s5 =	sadd.s32 $0x8A80, s16  }
0x143: {  	s4 =	sadd.s32 $0x8A00, s16;
	s8 =	sadd.s32 $0x8680, s16;
	s24 =	sadd.s32 $0xB00, s16;
	(v2sf) =	vpush v63, $0x3  }
0x144: {  	s7 =	sadd.s32 $0x700, s16;
	s23 =	sadd.s32 $0x8B00, s16;
	s10 =	sadd.s32 $0x8600, s16  }
0x145: {  	s1 =	sadd.s32 $0xA80, s16;
	s12 =	sadd.s32 $0x8580, s16;
	s11 =	sadd.s32 $0x8500, s16;
	(v2sf) =	vpush v1, $0x4  }
0x146: {  	s21 =	sadd.s32 $0x10, s21;
	s22 =	sadd.s32 $0x10, s22;
	s26 =	spop (v2sf)  }
0x147: {  	s31 =	sand.u32 $0x1FFFFFF0, s26;
	s26 =	sadd.s32 $0x980, s16;
	s20 =	spop (v2sf);
	(v2sf) =	vpush v63, $0x4  }
0x148: {  	s31 =	sadd.s32 s3, s31;
	s19 =	sand.u32 $0x1FFFFFF0, s20;
	s20 =	spop (v2sf)  }
0x149: {  	[tilespmem:s29], [sflag:$0x1] =	stream.linear.gather [hbm4b:s31+s2], $0x80, $0x38;
	[tilespmem:$0x10400] =	vst v63  }
0x14a: {  	(v2sf) =	vpush v1, $0x5;
	s19 =	sadd.s32 s3, s19;
	s20 =	sand.u32 $0x1FFFFFF0, s20;
	s31 =	spop (v2sf)  }
0x14b: {  	(v2sf) =	vpush v63, $0x5;
	[tilespmem:s18], [sflag:$0x1] =	stream.linear.gather [hbm4b:s19+s2], $0x80, $0x38;
	[tilespmem:$0x10400] =	vst v63  }
0x14c: {  	s20 =	sadd.s32 s3, s20;
	s29 =	sand.u32 $0x1FFFFFF0, s31;
	s31 =	spop (v2sf)  }
0x14d: {  	(v2sf) =	vpush v1, $0x6;
	[tilespmem:s30], [sflag:$0x1] =	stream.linear.gather [hbm4b:s20+s2], $0x80, $0x38;
	[tilespmem:$0x10400] =	vst v63  }
0x14e: {  	s29 =	sadd.s32 s3, s29;
	s30 =	sand.u32 $0x1FFFFFF0, s31;
	s31 =	spop (v2sf)  }
0x14f: {  	(v2sf) =	vpush v63, $0x6;
	[tilespmem:s28], [sflag:$0x1] =	stream.linear.gather [hbm4b:s29+s2], $0x80, $0x38;
	[tilespmem:$0x10400] =	vst v63  }
0x150: {  	s29 =	sadd.s32 s3, s30;
	s30 =	sand.u32 $0x1FFFFFF0, s31;
	s31 =	spop (v2sf)  }
0x151: {  	(v2sf) =	vpush v1, $0x7;
	[tilespmem:s0], [sflag:$0x1] =	stream.linear.gather [hbm4b:s29+s2], $0x80, $0x38;
	[tilespmem:$0x10400] =	vst v63  }
0x152: {  	s19 =	sadd.s32 s3, s30;
	s20 =	sand.u32 $0x1FFFFFF0, s31;
	s28 =	spop (v2sf)  }
0x153: {  	[tilespmem:s11], [sflag:$0x1] =	stream.linear.gather [hbm4b:s19+s2], $0x80, $0x38;
	[tilespmem:$0x10400] =	vst v63  }
0x154: {  	s29 =	sadd.s32 s3, s20;
	s30 =	sand.u32 $0x1FFFFFF0, s28;
	s31 =	spop (v2sf)  }
0x155: {  	(v2sf) =	vpush v63, $0x7;
	[tilespmem:s15], [sflag:$0x1] =	stream.linear.gather [hbm4b:s29+s2], $0x80, $0x38;
	[tilespmem:$0x10400] =	vst v63  }
0x156: {  	s20 =	sand.u32 $0x1FFFFFF0, s31;
	s19 =	sadd.s32 s3, s30;
	s28 =	spop (v2sf)  }
0x157: {  	(v2sf) =	vpush v1, $0x8;
	[tilespmem:s12], [sflag:$0x1] =	stream.linear.gather [hbm4b:s19+s2], $0x80, $0x38;
	[tilespmem:$0x10400] =	vst v63  }
0x158: {  	s11 =	smov.u32 s4;
	s29 =	sadd.s32 s3, s20;
	s30 =	sand.u32 $0x1FFFFFF0, s28  }
0x159: {  	(v2sf) =	vpush v63, $0x8;
	s31 =	spop (v2sf);
	s12 =	smov.u32 s1;
	s15 =	sadd.s32 s3, s30  }
0x15a: {  	(v2sf) =	vpush v1, $0x9;
	s18 =	sand.u32 $0x1FFFFFF0, s31;
	s19 =	spop (v2sf);
	s30 =	rddreg [dreg:$0x12]  }
0x15b: {  	[tilespmem:s9], [sflag:$0x1] =	stream.linear.gather [hbm4b:s29+s2], $0x80, $0x38;
	[tilespmem:$0x10400] =	vst v63  }
0x15c: {  	s20 =	sadd.s32 s3, s18;
	s28 =	sand.u32 $0x1FFFFFF0, s19;
	s29 =	spop (v2sf)  }
0x15d: {  	[tilespmem:s10], [sflag:$0x1] =	stream.linear.gather [hbm4b:s15+s2], $0x80, $0x38;
	[tilespmem:$0x10400] =	vst v63  }
0x15e: {  	(v2sf) =	vpush v63, $0x9;
	s31 =	sadd.s32 s3, s28;
	s1 =	sand.u32 $0x1FFFFFF0, s29;
	s4 =	spop (v2sf)  }
0x15f: {  	[tilespmem:s30], [sflag:$0x1] =	stream.linear.gather [hbm4b:s20+s2], $0x80, $0x38;
	[tilespmem:$0x10400] =	vst v63  }
0x160: {  	(v2sf) =	vpush v1, $0xA;
	s9 =	sadd.s32 s3, s1;
	s10 =	sand.u32 $0x1FFFFFF0, s4;
	s15 =	spop (v2sf)  }
0x161: {  	[tilespmem:s8], [sflag:$0x1] =	stream.linear.gather [hbm4b:s31+s2], $0x80, $0x38;
	[tilespmem:$0x10400] =	vst v63  }
0x162: {  	(v2sf) =	vpush v63, $0xA;
	s18 =	sadd.s32 s3, s10;
	s19 =	sand.u32 $0x1FFFFFF0, s15;
	s8 =	rddreg [dreg:$0x10]  }
0x163: {  	[tilespmem:s7], [sflag:$0x1] =	stream.linear.gather [hbm4b:s9+s2], $0x80, $0x38;
	[tilespmem:$0x10400] =	vst v63  }
0x164: {  	s20 =	spop (v2sf);
	s15 =	rddreg [dreg:$0xe];
	s28 =	sadd.s32 s3, s19  }
0x165: {  	[tilespmem:s6], [sflag:$0x1] =	stream.linear.gather [hbm4b:s18+s2], $0x80, $0x38;
	[tilespmem:$0x10400] =	vst v63  }
0x166: {  	(v2sf) =	vpush v1, $0xB;
	s29 =	sand.u32 $0x1FFFFFF0, s20;
	s30 =	spop (v2sf);
	s9 =	smov.u32 s5  }
0x167: {  	[tilespmem:s13], [sflag:$0x1] =	stream.linear.gather [hbm4b:s28+s2], $0x80, $0x38;
	[tilespmem:$0x10400] =	vst v63  }
0x168: {  	(v2sf) =	vpush v63, $0xB;
	s31 =	sadd.s32 s3, s29;
	s1 =	sand.u32 $0x1FFFFFF0, s30;
	s4 =	spop (v2sf)  }
0x169: {  	(v2sf) =	vpush v1, $0xC;
	s5 =	sadd.s32 s3, s1;
	s6 =	sand.u32 $0x1FFFFFF0, s4;
	s7 =	spop (v2sf)  }
0x16a: {  	[tilespmem:s14], [sflag:$0x1] =	stream.linear.gather [hbm4b:s31+s2], $0x80, $0x38;
	[tilespmem:$0x10400] =	vst v63  }
0x16b: {  	(v2sf) =	vpush v63, $0xC;
	s28 =	rddreg [dreg:$0x8];
	s10 =	sadd.s32 s3, s6;
	s13 =	sand.u32 $0x1FFFFFF0, s7  }
0x16c: {  	[tilespmem:s8], [sflag:$0x1] =	stream.linear.gather [hbm4b:s5+s2], $0x80, $0x38;
	[tilespmem:$0x10400] =	vst v63  }
0x16d: {  	s14 =	spop (v2sf);
	s6 =	rddreg [dreg:$0xc];
	s18 =	sadd.s32 s3, s13  }
0x16e: {  	[tilespmem:s15], [sflag:$0x1] =	stream.linear.gather [hbm4b:s10+s2], $0x80, $0x38;
	[tilespmem:$0x10400] =	vst v63  }
0x16f: {  	s19 =	sand.u32 $0x1FFFFFF0, s14;
	s20 =	spop (v2sf);
	s13 =	rddreg [dreg:$0xa]  }
0x170: {  	[tilespmem:s28], [sflag:$0x1] =	stream.linear.gather [hbm4b:s18+s2], $0x80, $0x38;
	[tilespmem:$0x10400] =	vst v63  }
0x171: {  	s29 =	sadd.s32 s3, s19;
	s30 =	sand.u32 $0x1FFFFFF0, s20;
	s31 =	spop (v2sf)  }
0x172: {  	[tilespmem:s6], [sflag:$0x1] =	stream.linear.gather [hbm4b:s29+s2], $0x80, $0x38;
	[tilespmem:$0x10400] =	vst v63  }
0x173: {  	s19 =	rddreg [dreg:$0x4];
	s7 =	sadd.s32 s3, s30;
	s8 =	sand.u32 $0x1FFFFFF0, s31  }
0x174: {  	[tilespmem:s13], [sflag:$0x1] =	stream.linear.gather [hbm4b:s7+s2], $0x80, $0x38;
	[tilespmem:$0x10400] =	vst v63  }
0x175: {  	s31 =	rddreg [dreg:$0x6];
	s10 =	spop (v2sf);
	s14 =	sadd.s32 s3, s8  }
0x176: {  	(v2sf) =	vpush v1, $0xD;
	[tilespmem:s19], [sflag:$0x1] =	stream.linear.gather [hbm4b:s14+s2], $0x80, $0x38;
	[tilespmem:$0x10400] =	vst v63  }
.Ltmp1:
0x177: {  	(v2sf) =	vpush v63, $0xD;
	s15 =	sand.u32 $0x1FFFFFF0, s10;
	s18 =	spop (v2sf);
	(pc) =	sbr.rel @p0 .LBB2_4-.Ltmp1, $4  }
0x178: {  	(v2sf) =	vpush v1, $0xE;
	s20 =	sadd.s32 s3, s15;
	s28 =	sand.u32 $0x1FFFFFF0, s18;
	s29 =	spop (v2sf)  }
0x179: {  	(v2sf) =	vpush v63, $0xE;
	[tilespmem:s26], [sflag:$0x1] =	stream.linear.gather [hbm4b:s20+s2], $0x80, $0x38;
	[tilespmem:$0x10400] =	vst v63  }
0x17a: {  	(v2sf) =	vpush v1, $0xF;
	s30 =	sadd.s32 s3, s28;
	s0 =	sand.u32 $0x1FFFFFF0, s29;
	s1 =	spop (v2sf)  }
0x17b: {  	(v2sf) =	vpush v63, $0xF;
	[tilespmem:s31], [sflag:$0x1] =	stream.linear.gather [hbm4b:s30+s2], $0x80, $0x38;
	[tilespmem:$0x10400] =	vst v63  }
0x17c: {  	_ =	sdelay $0x4  }
0x17d: {  	s0 =	sadd.s32 s3, s0;
	s1 =	sand.u32 $0x1FFFFFF0, s1  }
0x17e: {  	[tilespmem:s25], [sflag:$0x1] =	stream.linear.gather [hbm4b:s0+s2], $0x80, $0x38;
	[tilespmem:$0x10400] =	vst v63  }
0x17f: {  	s1 =	sadd.s32 s3, s1  }
0x180: {  	[tilespmem:s11], [sflag:$0x1] =	stream.linear.gather [hbm4b:s1+s2], $0x80, $0x38;
	[tilespmem:$0x10400] =	vst v63  }
0x181: {  	s4 =	spop (v2sf)  }
0x182: {  	s5 =	sand.u32 $0x1FFFFFF0, s4;
	s6 =	spop (v2sf)  }
0x183: {  	s7 =	sadd.s32 s3, s5;
	s8 =	sand.u32 $0x1FFFFFF0, s6;
	s10 =	spop (v2sf)  }
0x184: {  	[tilespmem:s12], [sflag:$0x1] =	stream.linear.gather [hbm4b:s7+s2], $0x80, $0x38;
	[tilespmem:$0x10400] =	vst v63  }
0x185: {  	s11 =	sadd.s32 s3, s8;
	s12 =	sand.u32 $0x1FFFFFF0, s10;
	s13 =	spop (v2sf)  }
0x186: {  	[tilespmem:s9], [sflag:$0x1] =	stream.linear.gather [hbm4b:s11+s2], $0x80, $0x38;
	[tilespmem:$0x10400] =	vst v63  }
0x187: {  	s14 =	sadd.s32 s3, s12;
	s15 =	sand.u32 $0x1FFFFFF0, s13;
	s17 =	spop (v2sf)  }
0x188: {  	[tilespmem:s24], [sflag:$0x1] =	stream.linear.gather [hbm4b:s14+s2], $0x80, $0x38;
	[tilespmem:$0x10400] =	vst v63  }
0x189: {  	s18 =	sadd.s32 s3, s15;
	s19 =	sand.u32 $0x1FFFFFF0, s17;
	s20 =	spop (v2sf)  }
0x18a: {  	[tilespmem:s23], [sflag:$0x1] =	stream.linear.gather [hbm4b:s18+s2], $0x80, $0x38;
	[tilespmem:$0x10400] =	vst v63  }
0x18b: {  	s21 =	sadd.s32 $0xB80, s16;
	s1 =	sadd.s32 s3, s19;
	s4 =	sand.u32 $0x1FFFFFF0, s20  }
0x18c: {  	[tilespmem:s21], [sflag:$0x1] =	stream.linear.gather [hbm4b:s1+s2], $0x80, $0x38;
	[tilespmem:$0x10400] =	vst v63  }
0x18d: {  	s22 =	sadd.s32 $0x8B80, s16;
	s24 =	simm.s32 $0x1;
	s23 =	sadd.s32 s3, s4  }
0x18e: {  	[tilespmem:s22], [sflag:$0x1] =	stream.linear.gather [hbm4b:s23+s2], $0x80, $0x38;
	[tilespmem:$0x10400] =	vst v63  }
0x18f: {  	_ =	swait.ge [sflag:s24], $0x8000  }
0x190: {  	[sflag:s24] =	ssyncset.done $0x0  }
0x191: {  	[sflag:s24] =	ssyncadd.s32 $0xFFFF8000  }
0x192: {  	_ =	swait.ge [sflag:s24], $0x8000  }
0x193: {  	s26 =	simm.s32 $0x400;
	[sflag:s24] =	ssyncset.done $0x0  }
0x194: {  	s4 =	simm.s32 $0x2;
	s25 =	rddreg [dreg:$0x17];
	[sflag:s24] =	ssyncadd.s32 $0xFFFF8000  }
0x195: {  	[hbm4b:s25+s2] =	stream.linear.scatter [tilespmem:s26], [sflag:$0x2], $0x8000, $0x38;
	[tilespmem:$0x10400] =	vst v63  }
0x196: {  	_ =	swait.ge [sflag:s4], $0x8000  }
0x197: {  	[sflag:s4] =	ssyncset.done $0x0  }
0x198: {  	s29 =	simm.s32 $0x8400;
	s28 =	rddreg [dreg:$0x18];
	[sflag:s4] =	ssyncadd.s32 $0xFFFF8000  }
0x199: {  	[hbm4b:s28+s2] =	stream.linear.scatter [tilespmem:s29], [sflag:$0x2], $0x8000, $0x38;
	[tilespmem:$0x10400] =	vst v63  }
0x19a: {  	_ =	swait.ge [sflag:s4], $0x8000  }
0x19b: {  	s30 =	rddreg [dreg:$0x1a]  }
0x19c: {  	s31 =	rddreg [dreg:$0x19];
	s1 =	sadd.s32 $0x1, s30  }
0x19d: {  	p0 =	sne.s32 s1, s31  }
.Ltmp2:
0x19e: {  	_ = 	snop;
	(pc) =	sbr.rel @p0 .LBB2_1-.Ltmp2, $3  }
0x19f: {  	_ =	sdelay $0x1  }
0x1a0: {  	[sflag:s4] =	ssyncset.done $0x0  }
0x1a1: {  	[sflag:s4] =	ssyncadd.s32 $0xFFFF8000  }
0x1a2: {  	_ =	sfence.sel $0x180000  }
0x1a3: {  	[bflag:$0x0] =	sbarrier.arrive $0xFFFF  }
0x1a4: {  	_ =	strace $0x90000047  }
0x1a5: {  	s0 =	stileid.u32;
	[bflag:$0x2] =	sbarrier.arrive $0xFFFF  }
0x1a6: {  	p0 =	sne.s32 s0, $0x0;
	s0 =	rddreg [dreg:$0x2]  }
0x1a7: {  	s0 =	sadd.s32 @!p0 $0x100000, s0  }
0x1a8: {  	[sflag:s0] =	ssyncadd.tile.s32 @!p0 $0x1;
	_ =	shalt  }
.Lfunc_end2:
_tile_overlayer_lowered:
.L_overlay_start_2:
0x1a9: {  	(tag) =	ssettag $0x2  }
0x1aa: {  	s0 =	rddreg [dreg:$0x0];
	s2 =	stileid.u32  }
0x1ab: {  	s1 =	rddreg [dreg:$0x1];
	p0 =	sne.s32 s2, $0x0  }
0x1ac: {  	s3 =	rddreg [dreg:$0x2];
	[bflag:$0x3] =	sbarrier.arrive $0xFFFF;
	s2 =	simm.s32 @!p0 $0x1C02  }
0x1ad: {  	[timem:s3], [sflag:s2] =	dma.local @!p0 [hbm:s0], s1  }
0x1ae: {  	s0 =	simm.s32 @!p0 $0x2  }
0x1af: {  	_ =	swait.ge @!p0 [sflag:s0], s1  }
0x1b0: {  	s1 =	ssub.s32 @!p0 $0x0, s1;
	[sflag:s0] =	ssyncset.done @!p0 $0x0  }
0x1b1: {  	[sflag:s0] =	ssyncadd.s32 @!p0 s1  }
0x1b2: {  	[bflag:$0x3] =	sbarrier.arrive $0xFFFF  }
0x1b3: {  	_ =	shalt  }

</sc_bundles>
